<compile_context>
chip_gen: v7x
topology: tpu7x:2x2x1
jax: 0.10.2.dev20260603
libtpu: 0.0.44.dev20260713+nightly
codegen_flags: <defaults>
</compile_context>

<pallas_src>
import functools

import jax
import jax.numpy as jnp
from jax import lax
from jax.experimental import pallas as pl
from jax.experimental.pallas import tpu as pltpu
from jax.experimental.pallas import tpu_sc as plsc

N = 10000
E = 160000
D = 256
H = 256
BN_EPS = 1e-5

DH = D // 2
NC = 2
NS = 16
CHUNK = 128
NCHUNK = 80
NHALF = NCHUNK // 2
EP_TILE = CHUNK * NCHUNK
E_PAD = EP_TILE * NS
ZPAD = 112
NROW = N + ZPAD
ROWS_PER_TILE = NROW // NS


def _sc_aggregate(x_cat, src_idx, dst_idx):
    mesh = plsc.VectorSubcoreMesh(core_axis_name="c", subcore_axis_name="s")

    @functools.partial(
        pl.kernel,
        out_type=jax.ShapeDtypeStruct((NC, NROW, DH), jnp.float32),
        mesh=mesh,
        scratch_types=[
            pltpu.VMEM_SHARED((NROW, DH), jnp.float32),
            pltpu.VMEM((NHALF, CHUNK), jnp.int32),
            pltpu.VMEM((NHALF, CHUNK), jnp.int32),
            pltpu.VMEM((CHUNK, DH), jnp.float32),
            pltpu.VMEM((CHUNK, DH), jnp.float32),
            pltpu.SemaphoreType.DMA,
            pltpu.SemaphoreType.DMA,
            pltpu.SemaphoreType.DMA,
        ],
    )
    def agg_kernel(x_hbm, src_hbm, dst_hbm, out_hbm,
                   acc, src_v, dst_v, buf0, buf1, sem0, sem1, isem):
        c = lax.axis_index("c")
        s = lax.axis_index("s")
        bufs = (buf0, buf1)
        sems = (sem0, sem1)

        r0 = s * ROWS_PER_TILE
        init = pltpu.async_copy(
            x_hbm.at[pl.ds(c * NROW + r0, ROWS_PER_TILE)],
            acc.at[pl.ds(r0, ROWS_PER_TILE)], isem)

        for half in range(2):
            pltpu.sync_copy(src_hbm.at[c, s, pl.ds(half * NHALF, NHALF)], src_v)
            pltpu.sync_copy(dst_hbm.at[s, pl.ds(half * NHALF, NHALF)], dst_v)

            pltpu.async_copy(x_hbm.at[src_v.at[0]], buf0, sem0)
            pltpu.async_copy(x_hbm.at[src_v.at[1]], buf1, sem1)

            if half == 0:
                init.wait()
                plsc.subcore_barrier()

            @pl.loop(0, NHALF, step=2)
            def _(j):
                for b in range(2):
                    cur = j + b
                    pltpu.make_async_copy(
                        x_hbm.at[src_v.at[cur]], bufs[b], sems[b]).wait()
                    pltpu.sync_copy(bufs[b], acc.at[dst_v.at[cur]], add=True)

                    @pl.when(cur + 2 < NHALF)
                    def _():
                        pltpu.async_copy(
                            x_hbm.at[src_v.at[cur + 2]], bufs[b], sems[b])

        plsc.subcore_barrier()
        pltpu.sync_copy(acc.at[pl.ds(r0, ROWS_PER_TILE)],
                        out_hbm.at[c, pl.ds(r0, ROWS_PER_TILE)])

    return agg_kernel(x_cat, src_idx, dst_idx)


EROW = E // CHUNK
EROWP = E_PAD // CHUNK


def _prep_body(x_ref, ei_ref, o_ref, src_ref, dst_ref):
    o_ref[0:N] = x_ref[:, 0:DH]
    o_ref[N:NROW] = jnp.zeros((ZPAD, DH), jnp.float32)
    o_ref[NROW:NROW + N] = x_ref[:, DH:D]
    o_ref[NROW + N:] = jnp.zeros((ZPAD, DH), jnp.float32)
    srcb = ei_ref[0].reshape(EROW, CHUNK)
    dstb = ei_ref[1].reshape(EROW, CHUNK)
    it = (lax.broadcasted_iota(jnp.int32, (EROWP - EROW, CHUNK), 0) * CHUNK
          + lax.broadcasted_iota(jnp.int32, (EROWP - EROW, CHUNK), 1))
    pad_src = N + it % ZPAD
    src_ref[0, 0:EROW] = srcb
    src_ref[0, EROW:EROWP] = pad_src
    src_ref[1, 0:EROW] = srcb + NROW
    src_ref[1, EROW:EROWP] = pad_src + NROW
    dst_ref[0:EROW] = dstb
    dst_ref[EROW:EROWP] = it


def _mm_t(a, w):
    return lax.dot_general(a, w, (((1,), (1,)), ((), ())),
                           preferred_element_type=jnp.float32)


def _mlp_body(h2, w1, b1, gamma, beta, w2, b2, out):
    y1 = _mm_t(h2[0, :N, :], w1[:, 0:DH])
    y1 = y1 + _mm_t(h2[1, :N, :], w1[:, DH:D])
    y1 = y1 + b1[...]
    mean = jnp.mean(y1, axis=0, keepdims=True)
    cent = y1 - mean
    var = jnp.mean(cent * cent, axis=0, keepdims=True)
    z = cent * lax.rsqrt(var + BN_EPS) * gamma[...] + beta[...]
    z = jnp.maximum(z, 0.0)
    y2 = _mm_t(z, w2[...]) + b2[...]
    out[...] = jnp.maximum(y2, 0.0)


def kernel(x, edge_index, W1, b1, gamma, beta, W2, b2):
    x_cat, src2r, dst2r = pl.pallas_call(
        _prep_body,
        out_shape=[
            jax.ShapeDtypeStruct((2 * NROW, DH), jnp.float32),
            jax.ShapeDtypeStruct((NC, EROWP, CHUNK), jnp.int32),
            jax.ShapeDtypeStruct((EROWP, CHUNK), jnp.int32),
        ],
    )(x, edge_index)

    src2 = src2r.reshape(NC, NS, NCHUNK, CHUNK)
    dst2 = dst2r.reshape(NS, NCHUNK, CHUNK)

    h2 = _sc_aggregate(x_cat, src2, dst2)

    out = pl.pallas_call(
        _mlp_body,
        out_shape=jax.ShapeDtypeStruct((N, H), jnp.float32),
    )(h2, W1,
      b1.reshape(1, H), gamma.reshape(1, H), beta.reshape(1, H),
      W2, b2.reshape(1, H))
    return out

# --- scband reference (transcript-rebuilt; emitter-appended) ---
"""Pipeline reference for scband-ginlayer-20547123544326 (READ-ONLY COPY).

The authoritative reference and input builder live on the scoring server;
editing this copy changes nothing except your own understanding.
"""

import jax, jax.numpy as jnp
import numpy as np

N = 10000
E = 160000
D = 256
H = 256
BN_EPS = 1e-5


def setup_inputs(seed: int = 0) -> dict:
    key = jax.random.key(seed)
    ks = jax.random.split(key, 8)
    x = jax.random.normal(ks[0], (N, D), dtype=jnp.float32)
    edge_index = jax.random.randint(ks[1], (2, E), 0, N, dtype=jnp.int32)
    # MLP params: Linear(D->H), BatchNorm1d(H), ReLU, Linear(H->H), ReLU
    W1 = jax.random.normal(ks[2], (H, D), dtype=jnp.float32) * (1.0 / np.sqrt(D))
    b1 = jnp.zeros((H,), dtype=jnp.float32)
    gamma = jnp.ones((H,), dtype=jnp.float32)
    beta = jnp.zeros((H,), dtype=jnp.float32)
    W2 = jax.random.normal(ks[3], (H, H), dtype=jnp.float32) * (1.0 / np.sqrt(H))
    b2 = jnp.zeros((H,), dtype=jnp.float32)
    return {"x": x, "edge_index": edge_index, "W1": W1, "b1": b1,
            "gamma": gamma, "beta": beta, "W2": W2, "b2": b2}


def reference(x, edge_index, W1, b1, gamma, beta, W2, b2):
    # GINConv with eps=0 (default, not trainable):
    #   h = MLP((1 + eps) * x + sum_{j in N(i)} x_j)
    src = edge_index[0]
    dst = edge_index[1]
    msgs = jnp.take(x, src, axis=0)               # gather source node feats [E, D]
    agg = jax.ops.segment_sum(msgs, dst, num_segments=N)  # scatter-add to dst [N, D]
    h = x + agg
    # Linear(D -> H)
    h = h @ W1.T + b1
    # BatchNorm1d (training mode: batch statistics, biased variance)
    mean = jnp.mean(h, axis=0)
    var = jnp.var(h, axis=0)
    h = (h - mean) / jnp.sqrt(var + BN_EPS) * gamma + beta
    h = jax.nn.relu(h)
    # Linear(H -> H)
    h = h @ W2.T + b2
    return jax.nn.relu(h)

if __name__ == "__main__":
    import jax
    _d = setup_inputs()
    print(jax.jit(kernel)(*tuple(_d.values())))

</pallas_src>

<mosaic_0001>
#map = affine_map<(d0, d1) -> (0, 0)>
#map1 = affine_map<(d0, d1) -> (0, 0, 0, 0)>
#map2 = affine_map<(d0, d1) -> (0, 0, 0)>
module attributes {stable_mosaic.version = 14 : i64} {
  func.func @agg_kernel(%arg0: i32, %arg1: i32, %arg2: memref<20224x128xf32, #tpu.memory_space<hbm>>, %arg3: memref<2x16x80x128xi32, #tpu.memory_space<hbm>>, %arg4: memref<16x80x128xi32, #tpu.memory_space<hbm>>, %arg5: memref<2x10112x128xf32, #tpu.memory_space<hbm>>, %arg6: memref<10112x128xf32, #tpu.memory_space<vmem_shared>>, %arg7: memref<40x128xi32, #tpu.memory_space<vmem>>, %arg8: memref<40x128xi32, #tpu.memory_space<vmem>>, %arg9: memref<128x128xf32, #tpu.memory_space<vmem>>, %arg10: memref<128x128xf32, #tpu.memory_space<vmem>>, %arg11: memref<!tpu.dma_semaphore, #tpu.memory_space<semaphore_mem>>, %arg12: memref<!tpu.dma_semaphore, #tpu.memory_space<semaphore_mem>>, %arg13: memref<!tpu.dma_semaphore, #tpu.memory_space<semaphore_mem>>) attributes {dimension_semantics = [#tpu.dimension_semantics<core_parallel>, #tpu.dimension_semantics<subcore_parallel>], iteration_bounds = array<i64: 2, 16>, scalar_prefetch = 0 : i64, scratch_operands = 8 : i64, tpu.core_type = #tpu.core_type<sc_vector_subcore>, window_params = [{transform_indices = #map}, {transform_indices = #map1}, {transform_indices = #map2}, {transform_indices = #map2}]} {
    %mul3A = arith.constant 632 : i32
    %mul3A_0 = arith.muli %arg1, %mul3A : i32
    %mul3A_1 = arith.constant 10112 : i32
    %mul3A_2 = arith.muli %arg0, %mul3A_1 : i32
    %add3A = arith.addi %mul3A_2, %mul3A_0 : i32
    %dma_start3A = arith.constant 0 : i32
    %dma_start3A_3 = tpu.memref_slice %arg6[%mul3A_0, %dma_start3A] : memref<10112x128xf32, #tpu.memory_space<vmem_shared>> -> memref<632x128xf32, #tpu.memory_space<vmem_shared>>
    %dma_start3A_4 = arith.constant 0 : i32
    %dma_start3A_5 = tpu.memref_slice %arg2[%add3A, %dma_start3A_4] : memref<20224x128xf32, #tpu.memory_space<hbm>> -> memref<632x128xf32, #tpu.memory_space<hbm>>
    tpu.enqueue_dma source(%dma_start3A_5 : memref<632x128xf32, #tpu.memory_space<hbm>>) target(%dma_start3A_3 : memref<632x128xf32, #tpu.memory_space<vmem_shared>>) target_semaphore(%arg13 : memref<!tpu.dma_semaphore, #tpu.memory_space<semaphore_mem>>)
    "tpu.region"() ({
      %run_scoped3A = tpu.sem_alloc : memref<!tpu.dma_semaphore, #tpu.memory_space<semaphore_mem>>
      %dma_start3A_47 = arith.constant 0 : i32
      %dma_start3A_48 = arith.constant 0 : i32
      %dma_start3A_49 = tpu.memref_slice %arg3[%arg0, %arg1, %dma_start3A_47, %dma_start3A_48] : memref<2x16x80x128xi32, #tpu.memory_space<hbm>> -> memref<1x1x40x128xi32, #tpu.memory_space<hbm>>
      %dma_start3A_50 = tpu.memref_squeeze %dma_start3A_49 : memref<1x1x40x128xi32, #tpu.memory_space<hbm>> -> memref<40x128xi32, #tpu.memory_space<hbm>>
      %dma_start3A_51 = arith.constant 0 : i32
      %dma_start3A_52 = arith.constant 0 : i32
      %dma_start3A_53 = tpu.memref_slice %arg3[%arg0, %arg1, %dma_start3A_51, %dma_start3A_52] : memref<2x16x80x128xi32, #tpu.memory_space<hbm>> -> memref<1x1x40x128xi32, #tpu.memory_space<hbm>>
      %dma_start3A_54 = tpu.memref_squeeze %dma_start3A_53 : memref<1x1x40x128xi32, #tpu.memory_space<hbm>> -> memref<40x128xi32, #tpu.memory_space<hbm>>
      tpu.enqueue_dma source(%dma_start3A_54 : memref<40x128xi32, #tpu.memory_space<hbm>>) target(%arg7 : memref<40x128xi32, #tpu.memory_space<vmem>>) target_semaphore(%run_scoped3A : memref<!tpu.dma_semaphore, #tpu.memory_space<semaphore_mem>>)
      %dma_wait3A_55 = arith.constant 0 : i32
      %dma_wait3A_56 = arith.constant 0 : i32
      %dma_wait3A_57 = tpu.memref_slice %arg3[%arg0, %arg1, %dma_wait3A_55, %dma_wait3A_56] : memref<2x16x80x128xi32, #tpu.memory_space<hbm>> -> memref<1x1x40x128xi32, #tpu.memory_space<hbm>>
      %dma_wait3A_58 = tpu.memref_squeeze %dma_wait3A_57 : memref<1x1x40x128xi32, #tpu.memory_space<hbm>> -> memref<40x128xi32, #tpu.memory_space<hbm>>
      %dma_wait3A_59 = arith.constant 0 : i32
      %dma_wait3A_60 = arith.constant 0 : i32
      %dma_wait3A_61 = tpu.memref_slice %arg3[%arg0, %arg1, %dma_wait3A_59, %dma_wait3A_60] : memref<2x16x80x128xi32, #tpu.memory_space<hbm>> -> memref<1x1x40x128xi32, #tpu.memory_space<hbm>>
      %dma_wait3A_62 = tpu.memref_squeeze %dma_wait3A_61 : memref<1x1x40x128xi32, #tpu.memory_space<hbm>> -> memref<40x128xi32, #tpu.memory_space<hbm>>
      tpu.wait_dma2 semaphore(%run_scoped3A : memref<!tpu.dma_semaphore, #tpu.memory_space<semaphore_mem>>) src(%dma_wait3A_62 : memref<40x128xi32, #tpu.memory_space<hbm>>) dst(%arg7 : memref<40x128xi32, #tpu.memory_space<vmem>>)
      tpu.yield
    }) : () -> ()
    "tpu.region"() ({
      %run_scoped3A = tpu.sem_alloc : memref<!tpu.dma_semaphore, #tpu.memory_space<semaphore_mem>>
      %dma_start3A_47 = arith.constant 0 : i32
      %dma_start3A_48 = arith.constant 0 : i32
      %dma_start3A_49 = tpu.memref_slice %arg4[%arg1, %dma_start3A_47, %dma_start3A_48] : memref<16x80x128xi32, #tpu.memory_space<hbm>> -> memref<1x40x128xi32, #tpu.memory_space<hbm>>
      %dma_start3A_50 = tpu.memref_squeeze %dma_start3A_49 : memref<1x40x128xi32, #tpu.memory_space<hbm>> -> memref<40x128xi32, #tpu.memory_space<hbm>>
      %dma_start3A_51 = arith.constant 0 : i32
      %dma_start3A_52 = arith.constant 0 : i32
      %dma_start3A_53 = tpu.memref_slice %arg4[%arg1, %dma_start3A_51, %dma_start3A_52] : memref<16x80x128xi32, #tpu.memory_space<hbm>> -> memref<1x40x128xi32, #tpu.memory_space<hbm>>
      %dma_start3A_54 = tpu.memref_squeeze %dma_start3A_53 : memref<1x40x128xi32, #tpu.memory_space<hbm>> -> memref<40x128xi32, #tpu.memory_space<hbm>>
      tpu.enqueue_dma source(%dma_start3A_54 : memref<40x128xi32, #tpu.memory_space<hbm>>) target(%arg8 : memref<40x128xi32, #tpu.memory_space<vmem>>) target_semaphore(%run_scoped3A : memref<!tpu.dma_semaphore, #tpu.memory_space<semaphore_mem>>)
      %dma_wait3A_55 = arith.constant 0 : i32
      %dma_wait3A_56 = arith.constant 0 : i32
      %dma_wait3A_57 = tpu.memref_slice %arg4[%arg1, %dma_wait3A_55, %dma_wait3A_56] : memref<16x80x128xi32, #tpu.memory_space<hbm>> -> memref<1x40x128xi32, #tpu.memory_space<hbm>>
      %dma_wait3A_58 = tpu.memref_squeeze %dma_wait3A_57 : memref<1x40x128xi32, #tpu.memory_space<hbm>> -> memref<40x128xi32, #tpu.memory_space<hbm>>
      %dma_wait3A_59 = arith.constant 0 : i32
      %dma_wait3A_60 = arith.constant 0 : i32
      %dma_wait3A_61 = tpu.memref_slice %arg4[%arg1, %dma_wait3A_59, %dma_wait3A_60] : memref<16x80x128xi32, #tpu.memory_space<hbm>> -> memref<1x40x128xi32, #tpu.memory_space<hbm>>
      %dma_wait3A_62 = tpu.memref_squeeze %dma_wait3A_61 : memref<1x40x128xi32, #tpu.memory_space<hbm>> -> memref<40x128xi32, #tpu.memory_space<hbm>>
      tpu.wait_dma2 semaphore(%run_scoped3A : memref<!tpu.dma_semaphore, #tpu.memory_space<semaphore_mem>>) src(%dma_wait3A_62 : memref<40x128xi32, #tpu.memory_space<hbm>>) dst(%arg8 : memref<40x128xi32, #tpu.memory_space<vmem>>)
      tpu.yield
    }) : () -> ()
    %dma_start3A_6 = arith.constant 0 : i32
    %dma_start3A_7 = arith.constant 0 : i32
    %dma_start3A_8 = tpu.memref_slice %arg7[%dma_start3A_6, %dma_start3A_7] : memref<40x128xi32, #tpu.memory_space<vmem>> -> memref<1x128xi32, #tpu.memory_space<vmem>>
    %dma_start3A_9 = tpu.memref_squeeze %dma_start3A_8 : memref<1x128xi32, #tpu.memory_space<vmem>> -> memref<128xi32, #tpu.memory_space<vmem>>
    %dma_start3A_10 = arith.constant 0 : i32
    %dma_start3A_11 = arith.constant 0 : i32
    %dma_start3A_12 = tpu.memref_slice %arg2[%dma_start3A_10, %dma_start3A_11] : memref<20224x128xf32, #tpu.memory_space<hbm>> -> memref<20224x128xf32, #tpu.memory_space<hbm>>
    tpu.enqueue_indirect_dma source(%dma_start3A_12 : memref<20224x128xf32, #tpu.memory_space<hbm>>) target(%arg9 : memref<128x128xf32, #tpu.memory_space<vmem>>) offsets(%dma_start3A_9 : memref<128xi32, #tpu.memory_space<vmem>>) semaphore(%arg11 : memref<!tpu.dma_semaphore, #tpu.memory_space<semaphore_mem>>)
    %dma_start3A_13 = arith.constant 1 : i32
    %dma_start3A_14 = arith.constant 0 : i32
    %dma_start3A_15 = tpu.memref_slice %arg7[%dma_start3A_13, %dma_start3A_14] : memref<40x128xi32, #tpu.memory_space<vmem>> -> memref<1x128xi32, #tpu.memory_space<vmem>>
    %dma_start3A_16 = tpu.memref_squeeze %dma_start3A_15 : memref<1x128xi32, #tpu.memory_space<vmem>> -> memref<128xi32, #tpu.memory_space<vmem>>
    %dma_start3A_17 = arith.constant 0 : i32
    %dma_start3A_18 = arith.constant 0 : i32
    %dma_start3A_19 = tpu.memref_slice %arg2[%dma_start3A_17, %dma_start3A_18] : memref<20224x128xf32, #tpu.memory_space<hbm>> -> memref<20224x128xf32, #tpu.memory_space<hbm>>
    tpu.enqueue_indirect_dma source(%dma_start3A_19 : memref<20224x128xf32, #tpu.memory_space<hbm>>) target(%arg10 : memref<128x128xf32, #tpu.memory_space<vmem>>) offsets(%dma_start3A_16 : memref<128xi32, #tpu.memory_space<vmem>>) semaphore(%arg12 : memref<!tpu.dma_semaphore, #tpu.memory_space<semaphore_mem>>)
    %dma_wait3A = arith.constant 0 : i32
    %dma_wait3A_20 = tpu.memref_slice %arg6[%mul3A_0, %dma_wait3A] : memref<10112x128xf32, #tpu.memory_space<vmem_shared>> -> memref<632x128xf32, #tpu.memory_space<vmem_shared>>
    %dma_wait3A_21 = arith.constant 0 : i32
    %dma_wait3A_22 = tpu.memref_slice %arg2[%add3A, %dma_wait3A_21] : memref<20224x128xf32, #tpu.memory_space<hbm>> -> memref<632x128xf32, #tpu.memory_space<hbm>>
    tpu.wait_dma2 semaphore(%arg13 : memref<!tpu.dma_semaphore, #tpu.memory_space<semaphore_mem>>) src(%dma_wait3A_22 : memref<632x128xf32, #tpu.memory_space<hbm>>) dst(%dma_wait3A_20 : memref<632x128xf32, #tpu.memory_space<vmem_shared>>)
    %barrier3A = arith.constant 0 : index
    tpu.barrier barrier_id(%barrier3A)
    %scan3A = arith.constant 0 : i32
    %scan3A_23 = arith.constant 20 : i32
    %scan3A_24 = arith.addi %scan3A, %scan3A_23 : i32
    %scan3A_25 = arith.constant 1 : i32
    scf.for %scan3A_47 = %scan3A to %scan3A_24 step %scan3A_25  : i32 {
      %mul3A_48 = arith.constant 2 : i32
      %mul3A_49 = arith.muli %scan3A_47, %mul3A_48 : i32
      %add3A_50 = arith.constant 0 : i32
      %add3A_51 = arith.addi %add3A_50, %mul3A_49 : i32
      %add3A_52 = arith.constant 0 : i32
      %add3A_53 = arith.addi %add3A_51, %add3A_52 : i32
      %dma_wait3A_54 = arith.constant 0 : i32
      %dma_wait3A_55 = tpu.memref_slice %arg7[%add3A_53, %dma_wait3A_54] : memref<40x128xi32, #tpu.memory_space<vmem>> -> memref<1x128xi32, #tpu.memory_space<vmem>>
      %dma_wait3A_56 = tpu.memref_squeeze %dma_wait3A_55 : memref<1x128xi32, #tpu.memory_space<vmem>> -> memref<128xi32, #tpu.memory_space<vmem>>
      %dma_wait3A_57 = arith.constant 0 : i32
      %dma_wait3A_58 = arith.constant 0 : i32
      %dma_wait3A_59 = tpu.memref_slice %arg2[%dma_wait3A_57, %dma_wait3A_58] : memref<20224x128xf32, #tpu.memory_space<hbm>> -> memref<20224x128xf32, #tpu.memory_space<hbm>>
      tpu.wait_indirect_dma semaphore(%arg11 : memref<!tpu.dma_semaphore, #tpu.memory_space<semaphore_mem>>) src(%dma_wait3A_59 : memref<20224x128xf32, #tpu.memory_space<hbm>>) dst(%arg9 : memref<128x128xf32, #tpu.memory_space<vmem>>)
      "tpu.region"() ({
        %run_scoped3A = tpu.sem_alloc : memref<!tpu.dma_semaphore, #tpu.memory_space<semaphore_mem>>
        %dma_start3A_79 = arith.constant 0 : i32
        %dma_start3A_80 = tpu.memref_slice %arg8[%add3A_53, %dma_start3A_79] : memref<40x128xi32, #tpu.memory_space<vmem>> -> memref<1x128xi32, #tpu.memory_space<vmem>>
        %dma_start3A_81 = tpu.memref_squeeze %dma_start3A_80 : memref<1x128xi32, #tpu.memory_space<vmem>> -> memref<128xi32, #tpu.memory_space<vmem>>
        %dma_start3A_82 = arith.constant 0 : i32
        %dma_start3A_83 = arith.constant 0 : i32
        %dma_start3A_84 = tpu.memref_slice %arg6[%dma_start3A_82, %dma_start3A_83] : memref<10112x128xf32, #tpu.memory_space<vmem_shared>> -> memref<10112x128xf32, #tpu.memory_space<vmem_shared>>
        tpu.enqueue_indirect_dma source(%arg9 : memref<128x128xf32, #tpu.memory_space<vmem>>) target(%dma_start3A_84 : memref<10112x128xf32, #tpu.memory_space<vmem_shared>>) offsets(%dma_start3A_81 : memref<128xi32, #tpu.memory_space<vmem>>) semaphore(%run_scoped3A : memref<!tpu.dma_semaphore, #tpu.memory_space<semaphore_mem>>) {add = true}
        %dma_wait3A_85 = arith.constant 0 : i32
        %dma_wait3A_86 = tpu.memref_slice %arg8[%add3A_53, %dma_wait3A_85] : memref<40x128xi32, #tpu.memory_space<vmem>> -> memref<1x128xi32, #tpu.memory_space<vmem>>
        %dma_wait3A_87 = tpu.memref_squeeze %dma_wait3A_86 : memref<1x128xi32, #tpu.memory_space<vmem>> -> memref<128xi32, #tpu.memory_space<vmem>>
        %dma_wait3A_88 = arith.constant 0 : i32
        %dma_wait3A_89 = arith.constant 0 : i32
        %dma_wait3A_90 = tpu.memref_slice %arg6[%dma_wait3A_88, %dma_wait3A_89] : memref<10112x128xf32, #tpu.memory_space<vmem_shared>> -> memref<10112x128xf32, #tpu.memory_space<vmem_shared>>
        tpu.wait_indirect_dma semaphore(%run_scoped3A : memref<!tpu.dma_semaphore, #tpu.memory_space<semaphore_mem>>) src(%arg9 : memref<128x128xf32, #tpu.memory_space<vmem>>) dst(%dma_wait3A_90 : memref<10112x128xf32, #tpu.memory_space<vmem_shared>>)
        tpu.yield
      }) : () -> ()
      %add3A_60 = arith.constant 2 : i32
      %add3A_61 = arith.addi %add3A_53, %add3A_60 : i32
      %lt3A = arith.constant 40 : i32
      %lt3A_62 = arith.cmpi slt, %add3A_61, %lt3A : i32
      %convert_element_type3A = arith.extui %lt3A_62 : i1 to i32
      %cond3A = arith.constant 0 : i32
      %cond3A_63 = arith.cmpi ne, %convert_element_type3A, %cond3A : i32
      scf.if %cond3A_63 {
        %add3A_79 = arith.constant 2 : i32
        %add3A_80 = arith.addi %add3A_53, %add3A_79 : i32
        %dma_start3A_81 = arith.constant 0 : i32
        %dma_start3A_82 = tpu.memref_slice %arg7[%add3A_80, %dma_start3A_81] : memref<40x128xi32, #tpu.memory_space<vmem>> -> memref<1x128xi32, #tpu.memory_space<vmem>>
        %dma_start3A_83 = tpu.memref_squeeze %dma_start3A_82 : memref<1x128xi32, #tpu.memory_space<vmem>> -> memref<128xi32, #tpu.memory_space<vmem>>
        %dma_start3A_84 = arith.constant 0 : i32
        %dma_start3A_85 = arith.constant 0 : i32
        %dma_start3A_86 = tpu.memref_slice %arg2[%dma_start3A_84, %dma_start3A_85] : memref<20224x128xf32, #tpu.memory_space<hbm>> -> memref<20224x128xf32, #tpu.memory_space<hbm>>
        tpu.enqueue_indirect_dma source(%dma_start3A_86 : memref<20224x128xf32, #tpu.memory_space<hbm>>) target(%arg9 : memref<128x128xf32, #tpu.memory_space<vmem>>) offsets(%dma_start3A_83 : memref<128xi32, #tpu.memory_space<vmem>>) semaphore(%arg11 : memref<!tpu.dma_semaphore, #tpu.memory_space<semaphore_mem>>)
      } else {
      }
      %add3A_64 = arith.constant 1 : i32
      %add3A_65 = arith.addi %add3A_51, %add3A_64 : i32
      %dma_wait3A_66 = arith.constant 0 : i32
      %dma_wait3A_67 = tpu.memref_slice %arg7[%add3A_65, %dma_wait3A_66] : memref<40x128xi32, #tpu.memory_space<vmem>> -> memref<1x128xi32, #tpu.memory_space<vmem>>
      %dma_wait3A_68 = tpu.memref_squeeze %dma_wait3A_67 : memref<1x128xi32, #tpu.memory_space<vmem>> -> memref<128xi32, #tpu.memory_space<vmem>>
      %dma_wait3A_69 = arith.constant 0 : i32
      %dma_wait3A_70 = arith.constant 0 : i32
      %dma_wait3A_71 = tpu.memref_slice %arg2[%dma_wait3A_69, %dma_wait3A_70] : memref<20224x128xf32, #tpu.memory_space<hbm>> -> memref<20224x128xf32, #tpu.memory_space<hbm>>
      tpu.wait_indirect_dma semaphore(%arg12 : memref<!tpu.dma_semaphore, #tpu.memory_space<semaphore_mem>>) src(%dma_wait3A_71 : memref<20224x128xf32, #tpu.memory_space<hbm>>) dst(%arg10 : memref<128x128xf32, #tpu.memory_space<vmem>>)
      "tpu.region"() ({
        %run_scoped3A = tpu.sem_alloc : memref<!tpu.dma_semaphore, #tpu.memory_space<semaphore_mem>>
        %dma_start3A_79 = arith.constant 0 : i32
        %dma_start3A_80 = tpu.memref_slice %arg8[%add3A_65, %dma_start3A_79] : memref<40x128xi32, #tpu.memory_space<vmem>> -> memref<1x128xi32, #tpu.memory_space<vmem>>
        %dma_start3A_81 = tpu.memref_squeeze %dma_start3A_80 : memref<1x128xi32, #tpu.memory_space<vmem>> -> memref<128xi32, #tpu.memory_space<vmem>>
        %dma_start3A_82 = arith.constant 0 : i32
        %dma_start3A_83 = arith.constant 0 : i32
        %dma_start3A_84 = tpu.memref_slice %arg6[%dma_start3A_82, %dma_start3A_83] : memref<10112x128xf32, #tpu.memory_space<vmem_shared>> -> memref<10112x128xf32, #tpu.memory_space<vmem_shared>>
        tpu.enqueue_indirect_dma source(%arg10 : memref<128x128xf32, #tpu.memory_space<vmem>>) target(%dma_start3A_84 : memref<10112x128xf32, #tpu.memory_space<vmem_shared>>) offsets(%dma_start3A_81 : memref<128xi32, #tpu.memory_space<vmem>>) semaphore(%run_scoped3A : memref<!tpu.dma_semaphore, #tpu.memory_space<semaphore_mem>>) {add = true}
        %dma_wait3A_85 = arith.constant 0 : i32
        %dma_wait3A_86 = tpu.memref_slice %arg8[%add3A_65, %dma_wait3A_85] : memref<40x128xi32, #tpu.memory_space<vmem>> -> memref<1x128xi32, #tpu.memory_space<vmem>>
        %dma_wait3A_87 = tpu.memref_squeeze %dma_wait3A_86 : memref<1x128xi32, #tpu.memory_space<vmem>> -> memref<128xi32, #tpu.memory_space<vmem>>
        %dma_wait3A_88 = arith.constant 0 : i32
        %dma_wait3A_89 = arith.constant 0 : i32
        %dma_wait3A_90 = tpu.memref_slice %arg6[%dma_wait3A_88, %dma_wait3A_89] : memref<10112x128xf32, #tpu.memory_space<vmem_shared>> -> memref<10112x128xf32, #tpu.memory_space<vmem_shared>>
        tpu.wait_indirect_dma semaphore(%run_scoped3A : memref<!tpu.dma_semaphore, #tpu.memory_space<semaphore_mem>>) src(%arg10 : memref<128x128xf32, #tpu.memory_space<vmem>>) dst(%dma_wait3A_90 : memref<10112x128xf32, #tpu.memory_space<vmem_shared>>)
        tpu.yield
      }) : () -> ()
      %add3A_72 = arith.constant 2 : i32
      %add3A_73 = arith.addi %add3A_65, %add3A_72 : i32
      %lt3A_74 = arith.constant 40 : i32
      %lt3A_75 = arith.cmpi slt, %add3A_73, %lt3A_74 : i32
      %convert_element_type3A_76 = arith.extui %lt3A_75 : i1 to i32
      %cond3A_77 = arith.constant 0 : i32
      %cond3A_78 = arith.cmpi ne, %convert_element_type3A_76, %cond3A_77 : i32
      scf.if %cond3A_78 {
        %add3A_79 = arith.constant 2 : i32
        %add3A_80 = arith.addi %add3A_65, %add3A_79 : i32
        %dma_start3A_81 = arith.constant 0 : i32
        %dma_start3A_82 = tpu.memref_slice %arg7[%add3A_80, %dma_start3A_81] : memref<40x128xi32, #tpu.memory_space<vmem>> -> memref<1x128xi32, #tpu.memory_space<vmem>>
        %dma_start3A_83 = tpu.memref_squeeze %dma_start3A_82 : memref<1x128xi32, #tpu.memory_space<vmem>> -> memref<128xi32, #tpu.memory_space<vmem>>
        %dma_start3A_84 = arith.constant 0 : i32
        %dma_start3A_85 = arith.constant 0 : i32
        %dma_start3A_86 = tpu.memref_slice %arg2[%dma_start3A_84, %dma_start3A_85] : memref<20224x128xf32, #tpu.memory_space<hbm>> -> memref<20224x128xf32, #tpu.memory_space<hbm>>
        tpu.enqueue_indirect_dma source(%dma_start3A_86 : memref<20224x128xf32, #tpu.memory_space<hbm>>) target(%arg10 : memref<128x128xf32, #tpu.memory_space<vmem>>) offsets(%dma_start3A_83 : memref<128xi32, #tpu.memory_space<vmem>>) semaphore(%arg12 : memref<!tpu.dma_semaphore, #tpu.memory_space<semaphore_mem>>)
      } else {
      }
    }
    %scan3A_26 = arith.constant 20 : i32
    "tpu.region"() ({
      %run_scoped3A = tpu.sem_alloc : memref<!tpu.dma_semaphore, #tpu.memory_space<semaphore_mem>>
      %dma_start3A_47 = arith.constant 40 : i32
      %dma_start3A_48 = arith.constant 0 : i32
      %dma_start3A_49 = tpu.memref_slice %arg3[%arg0, %arg1, %dma_start3A_47, %dma_start3A_48] : memref<2x16x80x128xi32, #tpu.memory_space<hbm>> -> memref<1x1x40x128xi32, #tpu.memory_space<hbm>>
      %dma_start3A_50 = tpu.memref_squeeze %dma_start3A_49 : memref<1x1x40x128xi32, #tpu.memory_space<hbm>> -> memref<40x128xi32, #tpu.memory_space<hbm>>
      %dma_start3A_51 = arith.constant 40 : i32
      %dma_start3A_52 = arith.constant 0 : i32
      %dma_start3A_53 = tpu.memref_slice %arg3[%arg0, %arg1, %dma_start3A_51, %dma_start3A_52] : memref<2x16x80x128xi32, #tpu.memory_space<hbm>> -> memref<1x1x40x128xi32, #tpu.memory_space<hbm>>
      %dma_start3A_54 = tpu.memref_squeeze %dma_start3A_53 : memref<1x1x40x128xi32, #tpu.memory_space<hbm>> -> memref<40x128xi32, #tpu.memory_space<hbm>>
      tpu.enqueue_dma source(%dma_start3A_54 : memref<40x128xi32, #tpu.memory_space<hbm>>) target(%arg7 : memref<40x128xi32, #tpu.memory_space<vmem>>) target_semaphore(%run_scoped3A : memref<!tpu.dma_semaphore, #tpu.memory_space<semaphore_mem>>)
      %dma_wait3A_55 = arith.constant 40 : i32
      %dma_wait3A_56 = arith.constant 0 : i32
      %dma_wait3A_57 = tpu.memref_slice %arg3[%arg0, %arg1, %dma_wait3A_55, %dma_wait3A_56] : memref<2x16x80x128xi32, #tpu.memory_space<hbm>> -> memref<1x1x40x128xi32, #tpu.memory_space<hbm>>
      %dma_wait3A_58 = tpu.memref_squeeze %dma_wait3A_57 : memref<1x1x40x128xi32, #tpu.memory_space<hbm>> -> memref<40x128xi32, #tpu.memory_space<hbm>>
      %dma_wait3A_59 = arith.constant 40 : i32
      %dma_wait3A_60 = arith.constant 0 : i32
      %dma_wait3A_61 = tpu.memref_slice %arg3[%arg0, %arg1, %dma_wait3A_59, %dma_wait3A_60] : memref<2x16x80x128xi32, #tpu.memory_space<hbm>> -> memref<1x1x40x128xi32, #tpu.memory_space<hbm>>
      %dma_wait3A_62 = tpu.memref_squeeze %dma_wait3A_61 : memref<1x1x40x128xi32, #tpu.memory_space<hbm>> -> memref<40x128xi32, #tpu.memory_space<hbm>>
      tpu.wait_dma2 semaphore(%run_scoped3A : memref<!tpu.dma_semaphore, #tpu.memory_space<semaphore_mem>>) src(%dma_wait3A_62 : memref<40x128xi32, #tpu.memory_space<hbm>>) dst(%arg7 : memref<40x128xi32, #tpu.memory_space<vmem>>)
      tpu.yield
    }) : () -> ()
    "tpu.region"() ({
      %run_scoped3A = tpu.sem_alloc : memref<!tpu.dma_semaphore, #tpu.memory_space<semaphore_mem>>
      %dma_start3A_47 = arith.constant 40 : i32
      %dma_start3A_48 = arith.constant 0 : i32
      %dma_start3A_49 = tpu.memref_slice %arg4[%arg1, %dma_start3A_47, %dma_start3A_48] : memref<16x80x128xi32, #tpu.memory_space<hbm>> -> memref<1x40x128xi32, #tpu.memory_space<hbm>>
      %dma_start3A_50 = tpu.memref_squeeze %dma_start3A_49 : memref<1x40x128xi32, #tpu.memory_space<hbm>> -> memref<40x128xi32, #tpu.memory_space<hbm>>
      %dma_start3A_51 = arith.constant 40 : i32
      %dma_start3A_52 = arith.constant 0 : i32
      %dma_start3A_53 = tpu.memref_slice %arg4[%arg1, %dma_start3A_51, %dma_start3A_52] : memref<16x80x128xi32, #tpu.memory_space<hbm>> -> memref<1x40x128xi32, #tpu.memory_space<hbm>>
      %dma_start3A_54 = tpu.memref_squeeze %dma_start3A_53 : memref<1x40x128xi32, #tpu.memory_space<hbm>> -> memref<40x128xi32, #tpu.memory_space<hbm>>
      tpu.enqueue_dma source(%dma_start3A_54 : memref<40x128xi32, #tpu.memory_space<hbm>>) target(%arg8 : memref<40x128xi32, #tpu.memory_space<vmem>>) target_semaphore(%run_scoped3A : memref<!tpu.dma_semaphore, #tpu.memory_space<semaphore_mem>>)
      %dma_wait3A_55 = arith.constant 40 : i32
      %dma_wait3A_56 = arith.constant 0 : i32
      %dma_wait3A_57 = tpu.memref_slice %arg4[%arg1, %dma_wait3A_55, %dma_wait3A_56] : memref<16x80x128xi32, #tpu.memory_space<hbm>> -> memref<1x40x128xi32, #tpu.memory_space<hbm>>
      %dma_wait3A_58 = tpu.memref_squeeze %dma_wait3A_57 : memref<1x40x128xi32, #tpu.memory_space<hbm>> -> memref<40x128xi32, #tpu.memory_space<hbm>>
      %dma_wait3A_59 = arith.constant 40 : i32
      %dma_wait3A_60 = arith.constant 0 : i32
      %dma_wait3A_61 = tpu.memref_slice %arg4[%arg1, %dma_wait3A_59, %dma_wait3A_60] : memref<16x80x128xi32, #tpu.memory_space<hbm>> -> memref<1x40x128xi32, #tpu.memory_space<hbm>>
      %dma_wait3A_62 = tpu.memref_squeeze %dma_wait3A_61 : memref<1x40x128xi32, #tpu.memory_space<hbm>> -> memref<40x128xi32, #tpu.memory_space<hbm>>
      tpu.wait_dma2 semaphore(%run_scoped3A : memref<!tpu.dma_semaphore, #tpu.memory_space<semaphore_mem>>) src(%dma_wait3A_62 : memref<40x128xi32, #tpu.memory_space<hbm>>) dst(%arg8 : memref<40x128xi32, #tpu.memory_space<vmem>>)
      tpu.yield
    }) : () -> ()
    %dma_start3A_27 = arith.constant 0 : i32
    %dma_start3A_28 = arith.constant 0 : i32
    %dma_start3A_29 = tpu.memref_slice %arg7[%dma_start3A_27, %dma_start3A_28] : memref<40x128xi32, #tpu.memory_space<vmem>> -> memref<1x128xi32, #tpu.memory_space<vmem>>
    %dma_start3A_30 = tpu.memref_squeeze %dma_start3A_29 : memref<1x128xi32, #tpu.memory_space<vmem>> -> memref<128xi32, #tpu.memory_space<vmem>>
    %dma_start3A_31 = arith.constant 0 : i32
    %dma_start3A_32 = arith.constant 0 : i32
    %dma_start3A_33 = tpu.memref_slice %arg2[%dma_start3A_31, %dma_start3A_32] : memref<20224x128xf32, #tpu.memory_space<hbm>> -> memref<20224x128xf32, #tpu.memory_space<hbm>>
    tpu.enqueue_indirect_dma source(%dma_start3A_33 : memref<20224x128xf32, #tpu.memory_space<hbm>>) target(%arg9 : memref<128x128xf32, #tpu.memory_space<vmem>>) offsets(%dma_start3A_30 : memref<128xi32, #tpu.memory_space<vmem>>) semaphore(%arg11 : memref<!tpu.dma_semaphore, #tpu.memory_space<semaphore_mem>>)
    %dma_start3A_34 = arith.constant 1 : i32
    %dma_start3A_35 = arith.constant 0 : i32
    %dma_start3A_36 = tpu.memref_slice %arg7[%dma_start3A_34, %dma_start3A_35] : memref<40x128xi32, #tpu.memory_space<vmem>> -> memref<1x128xi32, #tpu.memory_space<vmem>>
    %dma_start3A_37 = tpu.memref_squeeze %dma_start3A_36 : memref<1x128xi32, #tpu.memory_space<vmem>> -> memref<128xi32, #tpu.memory_space<vmem>>
    %dma_start3A_38 = arith.constant 0 : i32
    %dma_start3A_39 = arith.constant 0 : i32
    %dma_start3A_40 = tpu.memref_slice %arg2[%dma_start3A_38, %dma_start3A_39] : memref<20224x128xf32, #tpu.memory_space<hbm>> -> memref<20224x128xf32, #tpu.memory_space<hbm>>
    tpu.enqueue_indirect_dma source(%dma_start3A_40 : memref<20224x128xf32, #tpu.memory_space<hbm>>) target(%arg10 : memref<128x128xf32, #tpu.memory_space<vmem>>) offsets(%dma_start3A_37 : memref<128xi32, #tpu.memory_space<vmem>>) semaphore(%arg12 : memref<!tpu.dma_semaphore, #tpu.memory_space<semaphore_mem>>)
    %scan3A_41 = arith.constant 0 : i32
    %scan3A_42 = arith.constant 20 : i32
    %scan3A_43 = arith.addi %scan3A_41, %scan3A_42 : i32
    %scan3A_44 = arith.constant 1 : i32
    scf.for %scan3A_47 = %scan3A_41 to %scan3A_43 step %scan3A_44  : i32 {
      %mul3A_48 = arith.constant 2 : i32
      %mul3A_49 = arith.muli %scan3A_47, %mul3A_48 : i32
      %add3A_50 = arith.constant 0 : i32
      %add3A_51 = arith.addi %add3A_50, %mul3A_49 : i32
      %add3A_52 = arith.constant 0 : i32
      %add3A_53 = arith.addi %add3A_51, %add3A_52 : i32
      %dma_wait3A_54 = arith.constant 0 : i32
      %dma_wait3A_55 = tpu.memref_slice %arg7[%add3A_53, %dma_wait3A_54] : memref<40x128xi32, #tpu.memory_space<vmem>> -> memref<1x128xi32, #tpu.memory_space<vmem>>
      %dma_wait3A_56 = tpu.memref_squeeze %dma_wait3A_55 : memref<1x128xi32, #tpu.memory_space<vmem>> -> memref<128xi32, #tpu.memory_space<vmem>>
      %dma_wait3A_57 = arith.constant 0 : i32
      %dma_wait3A_58 = arith.constant 0 : i32
      %dma_wait3A_59 = tpu.memref_slice %arg2[%dma_wait3A_57, %dma_wait3A_58] : memref<20224x128xf32, #tpu.memory_space<hbm>> -> memref<20224x128xf32, #tpu.memory_space<hbm>>
      tpu.wait_indirect_dma semaphore(%arg11 : memref<!tpu.dma_semaphore, #tpu.memory_space<semaphore_mem>>) src(%dma_wait3A_59 : memref<20224x128xf32, #tpu.memory_space<hbm>>) dst(%arg9 : memref<128x128xf32, #tpu.memory_space<vmem>>)
      "tpu.region"() ({
        %run_scoped3A = tpu.sem_alloc : memref<!tpu.dma_semaphore, #tpu.memory_space<semaphore_mem>>
        %dma_start3A_79 = arith.constant 0 : i32
        %dma_start3A_80 = tpu.memref_slice %arg8[%add3A_53, %dma_start3A_79] : memref<40x128xi32, #tpu.memory_space<vmem>> -> memref<1x128xi32, #tpu.memory_space<vmem>>
        %dma_start3A_81 = tpu.memref_squeeze %dma_start3A_80 : memref<1x128xi32, #tpu.memory_space<vmem>> -> memref<128xi32, #tpu.memory_space<vmem>>
        %dma_start3A_82 = arith.constant 0 : i32
        %dma_start3A_83 = arith.constant 0 : i32
        %dma_start3A_84 = tpu.memref_slice %arg6[%dma_start3A_82, %dma_start3A_83] : memref<10112x128xf32, #tpu.memory_space<vmem_shared>> -> memref<10112x128xf32, #tpu.memory_space<vmem_shared>>
        tpu.enqueue_indirect_dma source(%arg9 : memref<128x128xf32, #tpu.memory_space<vmem>>) target(%dma_start3A_84 : memref<10112x128xf32, #tpu.memory_space<vmem_shared>>) offsets(%dma_start3A_81 : memref<128xi32, #tpu.memory_space<vmem>>) semaphore(%run_scoped3A : memref<!tpu.dma_semaphore, #tpu.memory_space<semaphore_mem>>) {add = true}
        %dma_wait3A_85 = arith.constant 0 : i32
        %dma_wait3A_86 = tpu.memref_slice %arg8[%add3A_53, %dma_wait3A_85] : memref<40x128xi32, #tpu.memory_space<vmem>> -> memref<1x128xi32, #tpu.memory_space<vmem>>
        %dma_wait3A_87 = tpu.memref_squeeze %dma_wait3A_86 : memref<1x128xi32, #tpu.memory_space<vmem>> -> memref<128xi32, #tpu.memory_space<vmem>>
        %dma_wait3A_88 = arith.constant 0 : i32
        %dma_wait3A_89 = arith.constant 0 : i32
        %dma_wait3A_90 = tpu.memref_slice %arg6[%dma_wait3A_88, %dma_wait3A_89] : memref<10112x128xf32, #tpu.memory_space<vmem_shared>> -> memref<10112x128xf32, #tpu.memory_space<vmem_shared>>
        tpu.wait_indirect_dma semaphore(%run_scoped3A : memref<!tpu.dma_semaphore, #tpu.memory_space<semaphore_mem>>) src(%arg9 : memref<128x128xf32, #tpu.memory_space<vmem>>) dst(%dma_wait3A_90 : memref<10112x128xf32, #tpu.memory_space<vmem_shared>>)
        tpu.yield
      }) : () -> ()
      %add3A_60 = arith.constant 2 : i32
      %add3A_61 = arith.addi %add3A_53, %add3A_60 : i32
      %lt3A = arith.constant 40 : i32
      %lt3A_62 = arith.cmpi slt, %add3A_61, %lt3A : i32
      %convert_element_type3A = arith.extui %lt3A_62 : i1 to i32
      %cond3A = arith.constant 0 : i32
      %cond3A_63 = arith.cmpi ne, %convert_element_type3A, %cond3A : i32
      scf.if %cond3A_63 {
        %add3A_79 = arith.constant 2 : i32
        %add3A_80 = arith.addi %add3A_53, %add3A_79 : i32
        %dma_start3A_81 = arith.constant 0 : i32
        %dma_start3A_82 = tpu.memref_slice %arg7[%add3A_80, %dma_start3A_81] : memref<40x128xi32, #tpu.memory_space<vmem>> -> memref<1x128xi32, #tpu.memory_space<vmem>>
        %dma_start3A_83 = tpu.memref_squeeze %dma_start3A_82 : memref<1x128xi32, #tpu.memory_space<vmem>> -> memref<128xi32, #tpu.memory_space<vmem>>
        %dma_start3A_84 = arith.constant 0 : i32
        %dma_start3A_85 = arith.constant 0 : i32
        %dma_start3A_86 = tpu.memref_slice %arg2[%dma_start3A_84, %dma_start3A_85] : memref<20224x128xf32, #tpu.memory_space<hbm>> -> memref<20224x128xf32, #tpu.memory_space<hbm>>
        tpu.enqueue_indirect_dma source(%dma_start3A_86 : memref<20224x128xf32, #tpu.memory_space<hbm>>) target(%arg9 : memref<128x128xf32, #tpu.memory_space<vmem>>) offsets(%dma_start3A_83 : memref<128xi32, #tpu.memory_space<vmem>>) semaphore(%arg11 : memref<!tpu.dma_semaphore, #tpu.memory_space<semaphore_mem>>)
      } else {
      }
      %add3A_64 = arith.constant 1 : i32
      %add3A_65 = arith.addi %add3A_51, %add3A_64 : i32
      %dma_wait3A_66 = arith.constant 0 : i32
      %dma_wait3A_67 = tpu.memref_slice %arg7[%add3A_65, %dma_wait3A_66] : memref<40x128xi32, #tpu.memory_space<vmem>> -> memref<1x128xi32, #tpu.memory_space<vmem>>
      %dma_wait3A_68 = tpu.memref_squeeze %dma_wait3A_67 : memref<1x128xi32, #tpu.memory_space<vmem>> -> memref<128xi32, #tpu.memory_space<vmem>>
      %dma_wait3A_69 = arith.constant 0 : i32
      %dma_wait3A_70 = arith.constant 0 : i32
      %dma_wait3A_71 = tpu.memref_slice %arg2[%dma_wait3A_69, %dma_wait3A_70] : memref<20224x128xf32, #tpu.memory_space<hbm>> -> memref<20224x128xf32, #tpu.memory_space<hbm>>
      tpu.wait_indirect_dma semaphore(%arg12 : memref<!tpu.dma_semaphore, #tpu.memory_space<semaphore_mem>>) src(%dma_wait3A_71 : memref<20224x128xf32, #tpu.memory_space<hbm>>) dst(%arg10 : memref<128x128xf32, #tpu.memory_space<vmem>>)
      "tpu.region"() ({
        %run_scoped3A = tpu.sem_alloc : memref<!tpu.dma_semaphore, #tpu.memory_space<semaphore_mem>>
        %dma_start3A_79 = arith.constant 0 : i32
        %dma_start3A_80 = tpu.memref_slice %arg8[%add3A_65, %dma_start3A_79] : memref<40x128xi32, #tpu.memory_space<vmem>> -> memref<1x128xi32, #tpu.memory_space<vmem>>
        %dma_start3A_81 = tpu.memref_squeeze %dma_start3A_80 : memref<1x128xi32, #tpu.memory_space<vmem>> -> memref<128xi32, #tpu.memory_space<vmem>>
        %dma_start3A_82 = arith.constant 0 : i32
        %dma_start3A_83 = arith.constant 0 : i32
        %dma_start3A_84 = tpu.memref_slice %arg6[%dma_start3A_82, %dma_start3A_83] : memref<10112x128xf32, #tpu.memory_space<vmem_shared>> -> memref<10112x128xf32, #tpu.memory_space<vmem_shared>>
        tpu.enqueue_indirect_dma source(%arg10 : memref<128x128xf32, #tpu.memory_space<vmem>>) target(%dma_start3A_84 : memref<10112x128xf32, #tpu.memory_space<vmem_shared>>) offsets(%dma_start3A_81 : memref<128xi32, #tpu.memory_space<vmem>>) semaphore(%run_scoped3A : memref<!tpu.dma_semaphore, #tpu.memory_space<semaphore_mem>>) {add = true}
        %dma_wait3A_85 = arith.constant 0 : i32
        %dma_wait3A_86 = tpu.memref_slice %arg8[%add3A_65, %dma_wait3A_85] : memref<40x128xi32, #tpu.memory_space<vmem>> -> memref<1x128xi32, #tpu.memory_space<vmem>>
        %dma_wait3A_87 = tpu.memref_squeeze %dma_wait3A_86 : memref<1x128xi32, #tpu.memory_space<vmem>> -> memref<128xi32, #tpu.memory_space<vmem>>
        %dma_wait3A_88 = arith.constant 0 : i32
        %dma_wait3A_89 = arith.constant 0 : i32
        %dma_wait3A_90 = tpu.memref_slice %arg6[%dma_wait3A_88, %dma_wait3A_89] : memref<10112x128xf32, #tpu.memory_space<vmem_shared>> -> memref<10112x128xf32, #tpu.memory_space<vmem_shared>>
        tpu.wait_indirect_dma semaphore(%run_scoped3A : memref<!tpu.dma_semaphore, #tpu.memory_space<semaphore_mem>>) src(%arg10 : memref<128x128xf32, #tpu.memory_space<vmem>>) dst(%dma_wait3A_90 : memref<10112x128xf32, #tpu.memory_space<vmem_shared>>)
        tpu.yield
      }) : () -> ()
      %add3A_72 = arith.constant 2 : i32
      %add3A_73 = arith.addi %add3A_65, %add3A_72 : i32
      %lt3A_74 = arith.constant 40 : i32
      %lt3A_75 = arith.cmpi slt, %add3A_73, %lt3A_74 : i32
      %convert_element_type3A_76 = arith.extui %lt3A_75 : i1 to i32
      %cond3A_77 = arith.constant 0 : i32
      %cond3A_78 = arith.cmpi ne, %convert_element_type3A_76, %cond3A_77 : i32
      scf.if %cond3A_78 {
        %add3A_79 = arith.constant 2 : i32
        %add3A_80 = arith.addi %add3A_65, %add3A_79 : i32
        %dma_start3A_81 = arith.constant 0 : i32
        %dma_start3A_82 = tpu.memref_slice %arg7[%add3A_80, %dma_start3A_81] : memref<40x128xi32, #tpu.memory_space<vmem>> -> memref<1x128xi32, #tpu.memory_space<vmem>>
        %dma_start3A_83 = tpu.memref_squeeze %dma_start3A_82 : memref<1x128xi32, #tpu.memory_space<vmem>> -> memref<128xi32, #tpu.memory_space<vmem>>
        %dma_start3A_84 = arith.constant 0 : i32
        %dma_start3A_85 = arith.constant 0 : i32
        %dma_start3A_86 = tpu.memref_slice %arg2[%dma_start3A_84, %dma_start3A_85] : memref<20224x128xf32, #tpu.memory_space<hbm>> -> memref<20224x128xf32, #tpu.memory_space<hbm>>
        tpu.enqueue_indirect_dma source(%dma_start3A_86 : memref<20224x128xf32, #tpu.memory_space<hbm>>) target(%arg10 : memref<128x128xf32, #tpu.memory_space<vmem>>) offsets(%dma_start3A_83 : memref<128xi32, #tpu.memory_space<vmem>>) semaphore(%arg12 : memref<!tpu.dma_semaphore, #tpu.memory_space<semaphore_mem>>)
      } else {
      }
    }
    %scan3A_45 = arith.constant 20 : i32
    %barrier3A_46 = arith.constant 0 : index
    tpu.barrier barrier_id(%barrier3A_46)
    "tpu.region"() ({
      %run_scoped3A = tpu.sem_alloc : memref<!tpu.dma_semaphore, #tpu.memory_space<semaphore_mem>>
      %dma_start3A_47 = arith.constant 0 : i32
      %dma_start3A_48 = tpu.memref_slice %arg5[%arg0, %mul3A_0, %dma_start3A_47] : memref<2x10112x128xf32, #tpu.memory_space<hbm>> -> memref<1x632x128xf32, #tpu.memory_space<hbm>>
      %dma_start3A_49 = tpu.memref_squeeze %dma_start3A_48 : memref<1x632x128xf32, #tpu.memory_space<hbm>> -> memref<632x128xf32, #tpu.memory_space<hbm>>
      %dma_start3A_50 = arith.constant 0 : i32
      %dma_start3A_51 = tpu.memref_slice %arg6[%mul3A_0, %dma_start3A_50] : memref<10112x128xf32, #tpu.memory_space<vmem_shared>> -> memref<632x128xf32, #tpu.memory_space<vmem_shared>>
      tpu.enqueue_dma source(%dma_start3A_51 : memref<632x128xf32, #tpu.memory_space<vmem_shared>>) target(%dma_start3A_49 : memref<632x128xf32, #tpu.memory_space<hbm>>) target_semaphore(%run_scoped3A : memref<!tpu.dma_semaphore, #tpu.memory_space<semaphore_mem>>)
      %dma_wait3A_52 = arith.constant 0 : i32
      %dma_wait3A_53 = tpu.memref_slice %arg5[%arg0, %mul3A_0, %dma_wait3A_52] : memref<2x10112x128xf32, #tpu.memory_space<hbm>> -> memref<1x632x128xf32, #tpu.memory_space<hbm>>
      %dma_wait3A_54 = tpu.memref_squeeze %dma_wait3A_53 : memref<1x632x128xf32, #tpu.memory_space<hbm>> -> memref<632x128xf32, #tpu.memory_space<hbm>>
      %dma_wait3A_55 = arith.constant 0 : i32
      %dma_wait3A_56 = tpu.memref_slice %arg6[%mul3A_0, %dma_wait3A_55] : memref<10112x128xf32, #tpu.memory_space<vmem_shared>> -> memref<632x128xf32, #tpu.memory_space<vmem_shared>>
      tpu.wait_dma2 semaphore(%run_scoped3A : memref<!tpu.dma_semaphore, #tpu.memory_space<semaphore_mem>>) src(%dma_wait3A_56 : memref<632x128xf32, #tpu.memory_space<vmem_shared>>) dst(%dma_wait3A_54 : memref<632x128xf32, #tpu.memory_space<hbm>>)
      tpu.yield
    }) : () -> ()
    return
  }
}

module attributes {stable_mosaic.version = 14 : i64} {
  func.func @_mlp_body(%arg0: memref<2x10112x128xf32, #tpu.memory_space<vmem>>, %arg1: memref<256x256xf32, #tpu.memory_space<vmem>>, %arg2: memref<1x256xf32, #tpu.memory_space<vmem>>, %arg3: memref<1x256xf32, #tpu.memory_space<vmem>>, %arg4: memref<1x256xf32, #tpu.memory_space<vmem>>, %arg5: memref<256x256xf32, #tpu.memory_space<vmem>>, %arg6: memref<1x256xf32, #tpu.memory_space<vmem>>, %arg7: memref<10000x256xf32, #tpu.memory_space<vmem>>) attributes {dimension_semantics = [], scalar_prefetch = 0 : i64, scratch_operands = 0 : i64, tpu.core_type = #tpu.core_type<tc>} {
    %get3A = arith.constant 0 : index
    %get3A_0 = arith.constant 0 : index
    %get3A_1 = arith.constant 0 : index
    %get3A_2 = vector.load %arg0[%get3A, %get3A_0, %get3A_1] : memref<2x10112x128xf32, #tpu.memory_space<vmem>>, vector<1x10000x128xf32>
    %get3A_3 = vector.shape_cast %get3A_2 : vector<1x10000x128xf32> to vector<10000x128xf32>
    %get3A_4 = arith.constant 0 : index
    %get3A_5 = arith.constant 0 : index
    %get3A_6 = vector.load %arg1[%get3A_4, %get3A_5] : memref<256x256xf32, #tpu.memory_space<vmem>>, vector<256x128xf32>
    %dot_general3A = arith.constant dense<0.000000e+00> : vector<10000x256xf32>
    %dot_general3A_7 = tpu.matmul %get3A_3, %get3A_6, %dot_general3A {dimension_numbers = #tpu.dot_dimension_numbers<[1], [1], [0], [0], [0, 0, 1, 0], [], []>, transpose_lhs_hint = false} : vector<10000x128xf32>, vector<256x128xf32>, vector<10000x256xf32> -> vector<10000x256xf32>
    %get3A_8 = arith.constant 1 : index
    %get3A_9 = arith.constant 0 : index
    %get3A_10 = arith.constant 0 : index
    %get3A_11 = vector.load %arg0[%get3A_8, %get3A_9, %get3A_10] : memref<2x10112x128xf32, #tpu.memory_space<vmem>>, vector<1x10000x128xf32>
    %get3A_12 = vector.shape_cast %get3A_11 : vector<1x10000x128xf32> to vector<10000x128xf32>
    %get3A_13 = arith.constant 0 : index
    %get3A_14 = arith.constant 128 : index
    %get3A_15 = vector.load %arg1[%get3A_13, %get3A_14] : memref<256x256xf32, #tpu.memory_space<vmem>>, vector<256x128xf32>
    %dot_general3A_16 = arith.constant dense<0.000000e+00> : vector<10000x256xf32>
    %dot_general3A_17 = tpu.matmul %get3A_12, %get3A_15, %dot_general3A_16 {dimension_numbers = #tpu.dot_dimension_numbers<[1], [1], [0], [0], [0, 0, 1, 0], [], []>, transpose_lhs_hint = false} : vector<10000x128xf32>, vector<256x128xf32>, vector<10000x256xf32> -> vector<10000x256xf32>
    %add3A = arith.addf %dot_general3A_7, %dot_general3A_17 : vector<10000x256xf32>
    %get3A_18 = arith.constant 0 : index
    %get3A_19 = arith.constant 0 : index
    %get3A_20 = vector.load %arg2[%get3A_18, %get3A_19] : memref<1x256xf32, #tpu.memory_space<vmem>>, vector<1x256xf32>
    %add3A_21 = vector.broadcast %get3A_20 : vector<1x256xf32> to vector<10000x256xf32>
    %add3A_22 = arith.addf %add3A, %add3A_21 : vector<10000x256xf32>
    %reduce_sum3A = arith.constant dense<0.000000e+00> : vector<256xf32>
    %reduce_sum3A_23 = vector.multi_reduction <add>, %add3A_22, %reduce_sum3A [0] : vector<10000x256xf32> to vector<256xf32>
    %broadcast_in_dim3A = vector.shape_cast %reduce_sum3A_23 : vector<256xf32> to vector<1x256xf32>
    %div3A = arith.constant 1.000000e+04 : f32
    %div3A_24 = vector.broadcast %div3A : f32 to vector<1x256xf32>
    %div3A_25 = arith.divf %broadcast_in_dim3A, %div3A_24 : vector<1x256xf32>
    %sub3A = vector.broadcast %div3A_25 : vector<1x256xf32> to vector<10000x256xf32>
    %sub3A_26 = arith.subf %add3A_22, %sub3A : vector<10000x256xf32>
    %mul3A = arith.mulf %sub3A_26, %sub3A_26 : vector<10000x256xf32>
    %reduce_sum3A_27 = arith.constant dense<0.000000e+00> : vector<256xf32>
    %reduce_sum3A_28 = vector.multi_reduction <add>, %mul3A, %reduce_sum3A_27 [0] : vector<10000x256xf32> to vector<256xf32>
    %broadcast_in_dim3A_29 = vector.shape_cast %reduce_sum3A_28 : vector<256xf32> to vector<1x256xf32>
    %div3A_30 = arith.constant 1.000000e+04 : f32
    %div3A_31 = vector.broadcast %div3A_30 : f32 to vector<1x256xf32>
    %div3A_32 = arith.divf %broadcast_in_dim3A_29, %div3A_31 : vector<1x256xf32>
    %add3A_33 = arith.constant 9.99999974E-6 : f32
    %add3A_34 = vector.broadcast %add3A_33 : f32 to vector<1x256xf32>
    %add3A_35 = arith.addf %div3A_32, %add3A_34 : vector<1x256xf32>
    %rsqrt3A = math.rsqrt %add3A_35 : vector<1x256xf32>
    %mul3A_36 = vector.broadcast %rsqrt3A : vector<1x256xf32> to vector<10000x256xf32>
    %mul3A_37 = arith.mulf %sub3A_26, %mul3A_36 : vector<10000x256xf32>
    %get3A_38 = arith.constant 0 : index
    %get3A_39 = arith.constant 0 : index
    %get3A_40 = vector.load %arg3[%get3A_38, %get3A_39] : memref<1x256xf32, #tpu.memory_space<vmem>>, vector<1x256xf32>
    %mul3A_41 = vector.broadcast %get3A_40 : vector<1x256xf32> to vector<10000x256xf32>
    %mul3A_42 = arith.mulf %mul3A_37, %mul3A_41 : vector<10000x256xf32>
    %get3A_43 = arith.constant 0 : index
    %get3A_44 = arith.constant 0 : index
    %get3A_45 = vector.load %arg4[%get3A_43, %get3A_44] : memref<1x256xf32, #tpu.memory_space<vmem>>, vector<1x256xf32>
    %add3A_46 = vector.broadcast %get3A_45 : vector<1x256xf32> to vector<10000x256xf32>
    %add3A_47 = arith.addf %mul3A_42, %add3A_46 : vector<10000x256xf32>
    %max3A = arith.constant 0.000000e+00 : f32
    %max3A_48 = vector.broadcast %max3A : f32 to vector<10000x256xf32>
    %max3A_49 = arith.maximumf %add3A_47, %max3A_48 : vector<10000x256xf32>
    %get3A_50 = arith.constant 0 : index
    %get3A_51 = arith.constant 0 : index
    %get3A_52 = vector.load %arg5[%get3A_50, %get3A_51] : memref<256x256xf32, #tpu.memory_space<vmem>>, vector<256x256xf32>
    %dot_general3A_53 = arith.constant dense<0.000000e+00> : vector<10000x256xf32>
    %dot_general3A_54 = tpu.matmul %max3A_49, %get3A_52, %dot_general3A_53 {dimension_numbers = #tpu.dot_dimension_numbers<[1], [1], [0], [0], [0, 0, 1, 0], [], []>, transpose_lhs_hint = false} : vector<10000x256xf32>, vector<256x256xf32>, vector<10000x256xf32> -> vector<10000x256xf32>
    %get3A_55 = arith.constant 0 : index
    %get3A_56 = arith.constant 0 : index
    %get3A_57 = vector.load %arg6[%get3A_55, %get3A_56] : memref<1x256xf32, #tpu.memory_space<vmem>>, vector<1x256xf32>
    %add3A_58 = vector.broadcast %get3A_57 : vector<1x256xf32> to vector<10000x256xf32>
    %add3A_59 = arith.addf %dot_general3A_54, %add3A_58 : vector<10000x256xf32>
    %max3A_60 = arith.constant 0.000000e+00 : f32
    %max3A_61 = vector.broadcast %max3A_60 : f32 to vector<10000x256xf32>
    %max3A_62 = arith.maximumf %add3A_59, %max3A_61 : vector<10000x256xf32>
    %swap3A = arith.constant 0 : index
    %swap3A_63 = arith.constant 0 : index
    %swap3A_64 = vector.load %arg7[%swap3A, %swap3A_63] : memref<10000x256xf32, #tpu.memory_space<vmem>>, vector<10000x256xf32>
    tpu.vector_store %arg7[%swap3A, %swap3A_63], %max3A_62 {strides = array<i32>} : memref<10000x256xf32, #tpu.memory_space<vmem>>, vector<10000x256xf32>,
    return
  }
}

module attributes {stable_mosaic.version = 14 : i64} {
  func.func @_prep_body(%arg0: memref<10000x256xf32, #tpu.memory_space<vmem>>, %arg1: memref<2x160000xi32, #tpu.memory_space<vmem>>, %arg2: memref<20224x128xf32, #tpu.memory_space<vmem>>, %arg3: memref<2x1280x128xi32, #tpu.memory_space<vmem>>, %arg4: memref<1280x128xi32, #tpu.memory_space<vmem>>) attributes {dimension_semantics = [], scalar_prefetch = 0 : i64, scratch_operands = 0 : i64, tpu.core_type = #tpu.core_type<tc>} {
    %get3A = arith.constant 0 : index
    %get3A_0 = arith.constant 0 : index
    %get3A_1 = vector.load %arg0[%get3A, %get3A_0] : memref<10000x256xf32, #tpu.memory_space<vmem>>, vector<10000x128xf32>
    %swap3A = arith.constant 0 : index
    %swap3A_2 = arith.constant 0 : index
    %swap3A_3 = vector.load %arg2[%swap3A, %swap3A_2] : memref<20224x128xf32, #tpu.memory_space<vmem>>, vector<10000x128xf32>
    tpu.vector_store %arg2[%swap3A, %swap3A_2], %get3A_1 {strides = array<i32>} : memref<20224x128xf32, #tpu.memory_space<vmem>>, vector<10000x128xf32>,
    %broadcast_in_dim3A = arith.constant 0.000000e+00 : f32
    %broadcast_in_dim3A_4 = vector.broadcast %broadcast_in_dim3A : f32 to vector<112x128xf32>
    %swap3A_5 = arith.constant 10000 : index
    %swap3A_6 = arith.constant 0 : index
    %swap3A_7 = vector.load %arg2[%swap3A_5, %swap3A_6] : memref<20224x128xf32, #tpu.memory_space<vmem>>, vector<112x128xf32>
    tpu.vector_store %arg2[%swap3A_5, %swap3A_6], %broadcast_in_dim3A_4 {strides = array<i32>} : memref<20224x128xf32, #tpu.memory_space<vmem>>, vector<112x128xf32>,
    %get3A_8 = arith.constant 0 : index
    %get3A_9 = arith.constant 128 : index
    %get3A_10 = vector.load %arg0[%get3A_8, %get3A_9] : memref<10000x256xf32, #tpu.memory_space<vmem>>, vector<10000x128xf32>
    %swap3A_11 = arith.constant 10112 : index
    %swap3A_12 = arith.constant 0 : index
    %swap3A_13 = vector.load %arg2[%swap3A_11, %swap3A_12] : memref<20224x128xf32, #tpu.memory_space<vmem>>, vector<10000x128xf32>
    tpu.vector_store %arg2[%swap3A_11, %swap3A_12], %get3A_10 {strides = array<i32>} : memref<20224x128xf32, #tpu.memory_space<vmem>>, vector<10000x128xf32>,
    %broadcast_in_dim3A_14 = arith.constant 0.000000e+00 : f32
    %broadcast_in_dim3A_15 = vector.broadcast %broadcast_in_dim3A_14 : f32 to vector<112x128xf32>
    %swap3A_16 = arith.constant 20112 : index
    %swap3A_17 = arith.constant 0 : index
    %swap3A_18 = vector.load %arg2[%swap3A_16, %swap3A_17] : memref<20224x128xf32, #tpu.memory_space<vmem>>, vector<112x128xf32>
    tpu.vector_store %arg2[%swap3A_16, %swap3A_17], %broadcast_in_dim3A_15 {strides = array<i32>} : memref<20224x128xf32, #tpu.memory_space<vmem>>, vector<112x128xf32>,
    %get3A_19 = arith.constant 0 : index
    %get3A_20 = arith.constant 0 : index
    %get3A_21 = vector.load %arg1[%get3A_19, %get3A_20] : memref<2x160000xi32, #tpu.memory_space<vmem>>, vector<1x160000xi32>
    %get3A_22 = vector.shape_cast %get3A_21 : vector<1x160000xi32> to vector<160000xi32>
    %reshape3A = vector.shape_cast %get3A_22 : vector<160000xi32> to vector<1250x128xi32>
    %get3A_23 = arith.constant 1 : index
    %get3A_24 = arith.constant 0 : index
    %get3A_25 = vector.load %arg1[%get3A_23, %get3A_24] : memref<2x160000xi32, #tpu.memory_space<vmem>>, vector<1x160000xi32>
    %get3A_26 = vector.shape_cast %get3A_25 : vector<1x160000xi32> to vector<160000xi32>
    %reshape3A_27 = vector.shape_cast %get3A_26 : vector<160000xi32> to vector<1250x128xi32>
    %iota3A = tpu.iota {dimensions = array<i32: 0>} : vector<30x128xi32>
    %mul3A = arith.constant 128 : i32
    %mul3A_28 = vector.broadcast %mul3A : i32 to vector<30x128xi32>
    %mul3A_29 = arith.muli %iota3A, %mul3A_28 : vector<30x128xi32>
    %iota3A_30 = tpu.iota {dimensions = array<i32: 1>} : vector<30x128xi32>
    %add3A = arith.addi %mul3A_29, %iota3A_30 : vector<30x128xi32>
    %jit3A = arith.constant 112 : i32
    %eq3A = arith.constant 0 : i32
    %eq3A_31 = arith.cmpi eq, %jit3A, %eq3A : i32
    %jit3A_32 = arith.constant 1 : i32
    %select_n3A = arith.select %eq3A_31, %jit3A_32, %jit3A : i32
    %rem3A = vector.broadcast %select_n3A : i32 to vector<30x128xi32>
    %rem3A_33 = arith.remsi %add3A, %rem3A : vector<30x128xi32>
    %ne3A = arith.constant 0 : i32
    %ne3A_34 = vector.broadcast %ne3A : i32 to vector<30x128xi32>
    %ne3A_35 = arith.cmpi ne, %rem3A_33, %ne3A_34 : vector<30x128xi32>
    %lt3A = arith.constant 0 : i32
    %lt3A_36 = vector.broadcast %lt3A : i32 to vector<30x128xi32>
    %lt3A_37 = arith.cmpi slt, %rem3A_33, %lt3A_36 : vector<30x128xi32>
    %lt3A_38 = arith.constant 0 : i32
    %lt3A_39 = arith.cmpi slt, %select_n3A, %lt3A_38 : i32
    %ne3A_40 = vector.broadcast %lt3A_39 : i1 to vector<30x128xi1>
    %ne3A_41 = vector.broadcast %ne3A_40 : vector<30x128xi1> to vector<30x128xi1>
    %ne3A_42 = arith.xori %lt3A_37, %ne3A_41 : vector<30x128xi1>
    %and3A = arith.andi %ne3A_42, %ne3A_35 : vector<30x128xi1>
    %add3A_43 = vector.broadcast %select_n3A : i32 to vector<30x128xi32>
    %add3A_44 = arith.addi %rem3A_33, %add3A_43 : vector<30x128xi32>
    %select_n3A_45 = arith.select %and3A, %add3A_44, %rem3A_33 : vector<30x128xi1>, vector<30x128xi32>
    %add3A_46 = arith.constant 10000 : i32
    %add3A_47 = vector.broadcast %add3A_46 : i32 to vector<30x128xi32>
    %add3A_48 = arith.addi %add3A_47, %select_n3A_45 : vector<30x128xi32>
    %swap3A_49 = arith.constant 0 : index
    %swap3A_50 = arith.constant 0 : index
    %swap3A_51 = arith.constant 0 : index
    %swap3A_52 = vector.load %arg3[%swap3A_49, %swap3A_50, %swap3A_51] : memref<2x1280x128xi32, #tpu.memory_space<vmem>>, vector<1x1250x128xi32>
    %swap3A_53 = vector.shape_cast %swap3A_52 : vector<1x1250x128xi32> to vector<1250x128xi32>
    %swap3A_54 = vector.shape_cast %reshape3A : vector<1250x128xi32> to vector<1x1250x128xi32>
    tpu.vector_store %arg3[%swap3A_49, %swap3A_50, %swap3A_51], %swap3A_54 {strides = array<i32>} : memref<2x1280x128xi32, #tpu.memory_space<vmem>>, vector<1x1250x128xi32>,
    %swap3A_55 = arith.constant 0 : index
    %swap3A_56 = arith.constant 1250 : index
    %swap3A_57 = arith.constant 0 : index
    %swap3A_58 = vector.load %arg3[%swap3A_55, %swap3A_56, %swap3A_57] : memref<2x1280x128xi32, #tpu.memory_space<vmem>>, vector<1x30x128xi32>
    %swap3A_59 = vector.shape_cast %swap3A_58 : vector<1x30x128xi32> to vector<30x128xi32>
    %swap3A_60 = vector.shape_cast %add3A_48 : vector<30x128xi32> to vector<1x30x128xi32>
    tpu.vector_store %arg3[%swap3A_55, %swap3A_56, %swap3A_57], %swap3A_60 {strides = array<i32>} : memref<2x1280x128xi32, #tpu.memory_space<vmem>>, vector<1x30x128xi32>,
    %add3A_61 = arith.constant 10112 : i32
    %add3A_62 = vector.broadcast %add3A_61 : i32 to vector<1250x128xi32>
    %add3A_63 = arith.addi %reshape3A, %add3A_62 : vector<1250x128xi32>
    %swap3A_64 = arith.constant 1 : index
    %swap3A_65 = arith.constant 0 : index
    %swap3A_66 = arith.constant 0 : index
    %swap3A_67 = vector.load %arg3[%swap3A_64, %swap3A_65, %swap3A_66] : memref<2x1280x128xi32, #tpu.memory_space<vmem>>, vector<1x1250x128xi32>
    %swap3A_68 = vector.shape_cast %swap3A_67 : vector<1x1250x128xi32> to vector<1250x128xi32>
    %swap3A_69 = vector.shape_cast %add3A_63 : vector<1250x128xi32> to vector<1x1250x128xi32>
    tpu.vector_store %arg3[%swap3A_64, %swap3A_65, %swap3A_66], %swap3A_69 {strides = array<i32>} : memref<2x1280x128xi32, #tpu.memory_space<vmem>>, vector<1x1250x128xi32>,
    %add3A_70 = arith.constant 10112 : i32
    %add3A_71 = vector.broadcast %add3A_70 : i32 to vector<30x128xi32>
    %add3A_72 = arith.addi %add3A_48, %add3A_71 : vector<30x128xi32>
    %swap3A_73 = arith.constant 1 : index
    %swap3A_74 = arith.constant 1250 : index
    %swap3A_75 = arith.constant 0 : index
    %swap3A_76 = vector.load %arg3[%swap3A_73, %swap3A_74, %swap3A_75] : memref<2x1280x128xi32, #tpu.memory_space<vmem>>, vector<1x30x128xi32>
    %swap3A_77 = vector.shape_cast %swap3A_76 : vector<1x30x128xi32> to vector<30x128xi32>
    %swap3A_78 = vector.shape_cast %add3A_72 : vector<30x128xi32> to vector<1x30x128xi32>
    tpu.vector_store %arg3[%swap3A_73, %swap3A_74, %swap3A_75], %swap3A_78 {strides = array<i32>} : memref<2x1280x128xi32, #tpu.memory_space<vmem>>, vector<1x30x128xi32>,
    %swap3A_79 = arith.constant 0 : index
    %swap3A_80 = arith.constant 0 : index
    %swap3A_81 = vector.load %arg4[%swap3A_79, %swap3A_80] : memref<1280x128xi32, #tpu.memory_space<vmem>>, vector<1250x128xi32>
    tpu.vector_store %arg4[%swap3A_79, %swap3A_80], %reshape3A_27 {strides = array<i32>} : memref<1280x128xi32, #tpu.memory_space<vmem>>, vector<1250x128xi32>,
    %swap3A_82 = arith.constant 1250 : index
    %swap3A_83 = arith.constant 0 : index
    %swap3A_84 = vector.load %arg4[%swap3A_82, %swap3A_83] : memref<1280x128xi32, #tpu.memory_space<vmem>>, vector<30x128xi32>
    tpu.vector_store %arg4[%swap3A_82, %swap3A_83], %add3A {strides = array<i32>} : memref<1280x128xi32, #tpu.memory_space<vmem>>, vector<30x128xi32>,
    return
  }
}

</mosaic_0001>

<sc_bundles>
// kernel: kernel.5.cloned.1.call-start
scs
__scs_entry_jumppad:
0x0: {  	(pc) =	sbr.rel $0x88, $3  }
0x1: {  	(tag) =	ssettag $0x0;
	lr =	simm.s32 $0x1  }
0x2: {  	[smem:$0x3F99] =	sst lr;
	_ =	strace $0xD0000000  }
0x3: {  	_ = 	snop  }
0x4: {  	_ = 	snop  }
0x5: {  	_ = 	snop  }
0x6: {  	_ = 	snop  }
0x7: {  	_ = 	snop  }
__scs_overlays_trampoline_lowered:
0x8: {  	[smem:$0x3FA8] =	sst s0  }
0x9: {  	[smem:$0x3FA9] =	sst s1  }
0xa: {  	[smem:$0x3FAA] =	sst s2  }
0xb: {  	[smem:$0x3FAB] =	sst s3  }
0xc: {  	[smem:$0x3FAC] =	sst s4  }
0xd: {  	[smem:$0x3FAD] =	sst s5  }
0xe: {  	[smem:$0x3FAE] =	sst s6  }
0xf: {  	[smem:$0x3FAF] =	sst s7  }
0x10: {  	[smem:$0x3FB0] =	sst s8  }
0x11: {  	[smem:$0x3FB1] =	sst s9;
	s0 =	simm.s32 @!p0 $0x0  }
0x12: {  	s1 =	sld [smem:$0x3F97];
	s0 =	simm.s32 @p0 $0x1  }
0x13: {  	[smem:$0x3FB2] =	sst s0;
	s0 =	simm.s32 @!p1 $0x0  }
0x14: {  	s2 =	sld [smem:$0x3F96];
	s0 =	simm.s32 @p1 $0x1  }
0x15: {  	[smem:$0x3FB3] =	sst s0;
	s0 =	simm.s32 @!p2 $0x0  }
0x16: {  	s3 =	sld [smem:$0x3FDB];
	s0 =	simm.s32 @p2 $0x1  }
0x17: {  	s4 =	simm.s32 $0x1BF5;
	[smem:$0x3FB5] =	sst s0  }
0x18: {  	s0 =	sld [smem:$0x3F98];
	_ =	swait.ge [sflag:s4], $0x0  }
0x19: {  	s7 =	sld [smem:$0x3F99]  }
0x1a: {  	s8 =	sadd.s32 $0xFFFFE003, lr  }
0x1b: {  	s9 =	sadd.s32 $0xFFFFFEF7, lr;
	s5 =	simm.s32 $0xFFFFFFFF;
	p2 =	slt.u32 s8, $0xFFFFF086  }
0x1c: {  	p1 =	slt.u32 s9, $0xF7A;
	s5 =	simm.s32 @!p2 $0x0  }
0x1d: {  	s5 =	simm.s32 @p1 $0x1;
	p0 =	seq.s32 s7, s2  }
0x1e: {  	s7 =	smul.u32 @!p0 $0xF7A, s2;
	p2 =	seq.s32 @!p0 s5, $0x0  }
0x1f: {  	s9 =	smul.u32 $0xF7A, s1;
	s8 =	simm.s32 @!p0 $0x1BF5;
	p2 =	por !p2, p0  }
0x20: {  	[sflag:s8] =	ssyncset.s32 @!p0 $0xFFFFF086;
	s6 =	sadd.s32 @!p0 s3, s7;
	s7 =	simm.s32 @!p0 $0x108  }
0x21: {  	s3 =	sadd.s32 s3, s9;
	s6 =	sadd.s32 @!p0 $0x88, s6;
	s7 =	simm.s32 @p2 $0x1082  }
0x22: {  	[simem:s7], [sflag:s8] =	dma.local @!p0 [hbm:s6], $0xF7A  }
0x23: {  	s9 =	sor.u32 $0xD0000000, s2;
	s6 =	simm.s32 $0x108;
	_ =	swait.ge @!p0 [sflag:s8], $0x0  }
0x24: {  	s3 =	sadd.s32 $0x88, s3;
	s6 =	simm.s32 @!p1 $0x1082;
	[sflag:s4] =	ssyncset.s32 $0xFFFFF086  }
0x25: {  	[simem:s6], [sflag:s4] =	dma.local [hbm:s3], $0xF7A  }
0x26: {  	[smem:$0x3F99] =	sst s1;
	(tag) =	ssettag s2;
	_ =	strace s9  }
0x27: {  	s1 =	sld [smem:$0x3FA9]  }
0x28: {  	s2 =	sld [smem:$0x3FAA]  }
0x29: {  	s4 =	sld [smem:$0x3FAC]  }
0x2a: {  	p0 =	seq.s32 s5, $0x0;
	s5 =	sld [smem:$0x3FAD]  }
0x2b: {  	s6 =	sld [smem:$0x3FAE]  }
0x2c: {  	s7 =	sld [smem:$0x3FAF]  }
0x2d: {  	s3 =	simm.s32 $0x108;
	s8 =	sld [smem:$0x3FB0]  }
0x2e: {  	s3 =	simm.s32 @!p0 $0x1082;
	s9 =	sld [smem:$0x3FB1]  }
0x2f: {  	lr =	sadd.s32 s0, s3;
	s0 =	sld [smem:$0x3FA8]  }
0x30: {  	s3 =	sld [smem:$0x3FAB]  }
0x31: {  	[smem:$0x3FB4] =	sst s10  }
0x32: {  	s10 =	sld [smem:$0x3FB2];
	_ =	sdelay $0x3  }
0x33: {  	p0 =	seq.s32 s10, $0x1;
	s10 =	sld [smem:$0x3FB4];
	_ =	sdelay $0x3  }
0x34: {  	[smem:$0x3FB4] =	sst s10  }
0x35: {  	s10 =	sld [smem:$0x3FB3];
	_ =	sdelay $0x3  }
0x36: {  	p1 =	seq.s32 s10, $0x1;
	s10 =	sld [smem:$0x3FB4];
	_ =	sdelay $0x3  }
0x37: {  	[smem:$0x3FB4] =	sst s10  }
0x38: {  	s10 =	sld [smem:$0x3FB5]  }
0x39: {  	_ = 	snop;
	(pc) =	sbr.ind lr, $3  }
0x3a: {  	_ = 	snop  }
0x3b: {  	_ = 	snop  }
0x3c: {  	p2 =	seq.s32 s10, $0x1;
	s10 =	sld [smem:$0x3FB4]  }
0x3d: {  	_ =	shalt  }
0x3e: {  	_ =	shalt  }
0x3f: {  	_ =	shalt  }
0x40: {  	_ =	shalt  }
0x41: {  	_ =	shalt  }
0x42: {  	_ =	shalt  }
0x43: {  	_ =	shalt  }
0x44: {  	_ =	shalt  }
0x45: {  	_ =	shalt  }
0x46: {  	_ =	shalt  }
0x47: {  	_ =	shalt  }
0x48: {  	_ =	shalt  }
0x49: {  	_ =	shalt  }
0x4a: {  	_ =	shalt  }
0x4b: {  	_ =	shalt  }
0x4c: {  	_ =	shalt  }
0x4d: {  	_ =	shalt  }
0x4e: {  	_ =	shalt  }
0x4f: {  	_ =	shalt  }
0x50: {  	_ =	shalt  }
0x51: {  	_ =	shalt  }
0x52: {  	_ =	shalt  }
0x53: {  	_ =	shalt  }
0x54: {  	_ =	shalt  }
0x55: {  	_ =	shalt  }
0x56: {  	_ =	shalt  }
0x57: {  	_ =	shalt  }
0x58: {  	_ =	shalt  }
0x59: {  	_ =	shalt  }
0x5a: {  	_ =	shalt  }
0x5b: {  	_ =	shalt  }
0x5c: {  	_ =	shalt  }
0x5d: {  	_ =	shalt  }
0x5e: {  	_ =	shalt  }
0x5f: {  	_ =	shalt  }
0x60: {  	_ =	shalt  }
0x61: {  	_ =	shalt  }
0x62: {  	_ =	shalt  }
0x63: {  	_ =	shalt  }
0x64: {  	_ =	shalt  }
0x65: {  	_ =	shalt  }
0x66: {  	_ =	shalt  }
0x67: {  	_ =	shalt  }
0x68: {  	_ =	shalt  }
0x69: {  	_ =	shalt  }
0x6a: {  	_ =	shalt  }
0x6b: {  	_ =	shalt  }
0x6c: {  	_ =	shalt  }
0x6d: {  	_ =	shalt  }
0x6e: {  	_ =	shalt  }
0x6f: {  	_ =	shalt  }
0x70: {  	_ =	shalt  }
0x71: {  	_ =	shalt  }
0x72: {  	_ =	shalt  }
0x73: {  	_ =	shalt  }
0x74: {  	_ =	shalt  }
0x75: {  	_ =	shalt  }
0x76: {  	_ =	shalt  }
0x77: {  	_ =	shalt  }
0x78: {  	_ =	shalt  }
0x79: {  	_ =	shalt  }
0x7a: {  	_ =	shalt  }
0x7b: {  	_ =	shalt  }
0x7c: {  	_ =	shalt  }
0x7d: {  	_ =	shalt  }
0x7e: {  	_ =	shalt  }
0x7f: {  	_ =	shalt  }
0x80: {  	_ =	shalt  }
0x81: {  	_ =	shalt  }
0x82: {  	_ =	shalt  }
0x83: {  	_ =	shalt  }
0x84: {  	_ =	shalt  }
0x85: {  	_ =	shalt  }
0x86: {  	_ =	shalt  }
0x87: {  	_ =	shalt  }
.Lfunc_end0:
.L_simem_size_0:
called_computation_lowered:
.L_overlay_start_0:
0x88: {  	s2 =	sld [smem:$0x3FD9]  }
0x89: {  	s3 =	sld [smem:$0x3FFE];
	_ =	sdelay $0x1  }
0x8a: {  	s1 =	srdreg.scid  }
0x8b: {  	s0 =	sand.u32 $0x1, s1  }
0x8c: {  	s17 =	sshll.u32 s0, $0xA;
	s2 =	sadd.s32 s3, s2  }
0x8d: {  	s2 =	sadd.s32 s2, s17  }
0x8e: {  	[smem:$0x3FC0] =	sst s2  }
0x8f: {  	_ = 	snop  }
0x90: {  	s2 =	sld [smem:$0x3FD0];
	(tm) =	ssettm $0x1  }
0x91: {  	s18 =	sld [smem:$0x3FFB];
	_ =	sdelay $0x3  }
0x92: {  	_ =	strace s18  }
0x93: {  	s3 =	sld [smem:$0x3FFC];
	_ =	sdelay $0x3  }
0x94: {  	_ =	strace s3  }
0x95: {  	s3 =	sld [smem:$0x3FFD];
	_ =	sdelay $0x3  }
0x96: {  	_ =	strace s3  }
0x97: {  	_ =	strace $0x8FFFFFFF  }
0x98: {  	s19 =	sld [smem:$0x3FDB];
	_ =	sdelay $0x1  }
0x99: {  	s4 =	simm.s32 $_scs_section_size  }
0x9a: {  	s5 =	simm.s32 $_size__tile_overlayer_lowered;
	s6 =	simm.s32 $_tile_overlayer_lowered  }
0x9b: {  	s22 =	simm.s32 $0x1BFF;
	s21 =	sshll.u32 s6, $0x1;
	s3 =	sadd.s32 s4, s19  }
0x9c: {  	s7 =	simm.s32 $0x0;
	s20 =	sshll.u32 s5, $0x1;
	s5 =	sadd.s32 s21, s3  }
0x9d: {  	[timem:s7], [sflag:s22] =	dma.local [hbm:s5], s20  }
0x9e: {  	_ =	swait.ge [sflag:s22], s20  }
0x9f: {  	s4 =	ssub.s32 $0x0, s20;
	[sflag:s22] =	ssyncset.done $0x0  }
0xa0: {  	[sflag:s22] =	ssyncadd.s32 s4;
	_ =	sdelay $0x1  }
0xa1: {  	s23 =	simm.s32 $0x1B8B  }
0xa2: {  	_ =	swait.ge [sflag:s23], $0x1  }
0xa3: {  	[sflag:s23] =	ssyncset.done $0x0  }
0xa4: {  	s25 =	simm.s32 $0x1B8E;
	s24 =	sld [smem:$0x3FFE];
	[sflag:s23] =	ssyncadd.s32 $0xFFFFFFFF  }
0xa5: {  	s26 =	simm.s32 $execute0_lowered;
	[smem:$0x3FD2] =	sst s25  }
0xa6: {  	s5 =	sshll.u32 s26, $0x1;
	_ =	strace $0x80000046;
	[dreg:$0x1] =	wrdreg $0xFFFFFFFF  }
0xa7: {  	s28 =	simm.s32 $_size_execute0_lowered;
	s3 =	sadd.s32 s3, s5;
	[dreg:$0x0] =	wrdreg $0x0  }
0xa8: {  	s5 =	sshll.u32 s28, $0x1;
	[dreg:$0x2] =	wrdreg s3  }
0xa9: {  	[dreg:$0x3] =	wrdreg s5  }
0xaa: {  	[dreg:$0x4] =	wrdreg $0xC0  }
0xab: {  	_ =	task [dreg:s7], $0x5FFFF  }
0xac: {  	[dreg:$0x1] =	wrdreg $0xFFFFFFFF  }
0xad: {  	[dreg:$0x0] =	wrdreg $0x60  }
0xae: {  	[dreg:$0x2] =	wrdreg s24  }
0xaf: {  	[dreg:$0x3] =	wrdreg s2  }
0xb0: {  	[dreg:$0x4] =	wrdreg $0x0  }
0xb1: {  	[dreg:$0x5] =	wrdreg $0x9  }
0xb2: {  	_ =	task.clear_ibuf [dreg:s7], $0x6FFFF;
	_ =	strace $0x90000046  }
0xb3: {  	s29 =	simm.s32 $0x9;
	_ =	strace $0x80000048  }
0xb4: {  	_ =	swait.ge [sflag:s29], $0x1  }
0xb5: {  	[sflag:s29] =	ssyncadd.s32 $0xFFFFFFFF  }
0xb6: {  	_ =	strace $0x90000048  }
0xb7: {  	_ =	sfence  }
0xb8: {  	s30 =	sld [smem:$0x0];
	_ =	sdelay $0x2  }
0xb9: {  	s31 =	sshll.u32 s1, $0xD;
	s1 =	sshrl.u32 s1, $0x2  }
0xba: {  	s3 =	sand.u32 $0x4000, s31;
	s1 =	sadd.s32 s1, s30  }
0xbb: {  	s0 =	sor.u32 s3, s0;
	s1 =	sshll.u32 s1, $0x11  }
0xbc: {  	s0 =	sor.u32 s1, s0  }
0xbd: {  	s0 =	sadd.s32 $0x8F2B, s0  }
0xbe: {  	[sflag:s0] =	ssyncadd.remote.s32 $0x1  }
0xbf: {  	_ =	sfence.sel $0xFFFF  }
0xc0: {  	[dreg:$0x0] =	wrdreg $0xFFFFFFFF;
	(pc) =	sbr.abs _section_cstart, $3  }
0xc1: {  	[dreg:$0x1] =	wrdreg $0xFFFFFFFF  }
0xc2: {  	_ =	task.clear_ibuf [dreg:s7], $0x2FFFF;
	_ =	strace $0x9FFFFFFF  }
0xc3: {  	(tm) =	ssettm $0x7FFFFFFF  }
tec
execute0_lowered:
.L_overlay_start_1:
0x0: {  	(tag) =	ssettag $0x1  }
0x1: {  	s5 =	rddreg [dreg:$0x0]  }
0x2: {  	s8 =	rddreg [dreg:$0x1];
	s0 =	stileid.u32  }
0x3: {  	s1 =	srdreg.scid;
	s2 =	rddreg [dreg:$0x2];
	s3 =	simm.s32 $0x0  }
0x4: {  	s18 =	simm.s32 $0x80;
	s19 =	simm.s32 $0x16400;
	s20 =	simm.s32 $0x13C80  }
0x5: {  	s21 =	simm.s32 $0x1A400;
	s22 =	simm.s32 $0x3;
	s6 =	smul.u32 $0x2800, s0  }
0x6: {  	s23 =	simm.s32 $0x1;
	s24 =	simm.s32 $0x2;
	s10 =	smul.u32 $0x13C00, s0  }
0x7: {  	s25 =	simm.s32 $0x16300;
	s28 =	simm.s32 $0x0;
	s12 =	smul.u32 $0x4F000, s0  }
0x8: {  	s7 =	sand.u32 $0x1, s1;
	s1 =	rddreg [dreg:$0x3];
	s14 =	smul.u32 $0x2780, s0  }
0x9: {  	[smem:$0x7FF] =	sst s3;
	s4 =	sadd.s32 $0x1C00, s5;
	s9 =	smul.u32 $0x13C000, s7  }
0xa: {  	_ =	strace $0x80000047;
	s13 =	smul.u32 $0x27800, s7;
	s26 =	ssub.s32 $0x2, s7  }
0xb: {  	s7 =	smul.u32 $0x28000, s7;
	s11 =	sshrl.u32 s6, $0x3;
	s15 =	sshrl.u32 s26, $0x1  }
0xc: {  	s29 =	sshrl.u32 s12, $0x2;
	s11 =	sadd.s32 s11, s5;
	s9 =	sadd.s32 s10, s9  }
0xd: {  	s15 =	ssub.s32 s26, s15;
	s17 =	sadd.s32 s29, s2;
	s30 =	sadd.s32 s14, s13  }
0xe: {  	s7 =	sadd.s32 s6, s7;
	s6 =	sshll.u32 s0, $0x6;
	s26 =	simm.s32 $0x16380  }
0xf: {  	s9 =	sshrl.u32 s9, $0x3;
	s31 =	sshrl.u32 s7, $0x3;
	s7 =	sor.u32 $0x1C03, s6  }
0x10: {  	s13 =	smax.u32 s15, $0x1;
	s14 =	sshrl.u32 s17, $0x3;
	s15 =	simm.s32 $0x13C00  }
0x11: {  	s17 =	simm.s32 $0x15000;
	s16 =	sadd.s32 s9, s5;
	s5 =	sadd.s32 s4, s30  }
0x12: {  	s8 =	sadd.s32 s8, s31;
	s9 =	sadd.s32 $0x50C00, s11;
	s11 =	sadd.s32 $0x50E80, s11  }
0x13: {  	s10 =	sadd.s32 $0x280, s8;
	s12 =	sadd.s32 $0x55C00, s16;
	s16 =	simm.s32 $0x4  }
.LBB2_1:
0x14: {  	[spmem:s14], [sflag:s7] =	dma.local [hbm:s5], $0x2780  }
0x15: {  	[tilespmem:s15], [sflag:$0x4] =	stream.linear.gather [hbm4b:s8+s3], $0x1400, $0x38;
	[tilespmem:$0x1E400] =	vst v63  }
0x16: {  	_ =	swait.ge [sflag:s16], $0x1400  }
0x17: {  	[sflag:s16] =	ssyncset.done $0x0  }
0x18: {  	[sflag:s16] =	ssyncadd.s32 $0xFFFFEC00  }
0x19: {  	[tilespmem:s17], [sflag:$0x4] =	stream.linear.gather [hbm4b:s9+s3], $0x1400, $0x38;
	[tilespmem:$0x1E400] =	vst v63  }
0x1a: {  	_ =	swait.ge [sflag:s16], $0x1400  }
0x1b: {  	[sflag:s16] =	ssyncset.done $0x0  }
0x1c: {  	[sflag:s16] =	ssyncadd.s32 $0xFFFFEC00  }
0x1d: {  	[tilespmem:s19], [sflag:$0x1] =	stream.indirect.gather [hbm4b:s4+s18], $0x80, s15, s18, $0xb8;
	[tilespmem:$0x1E400] =	vst v63  }
0x1e: {  	_ = 	snop  }
0x1f: {  	[tilespmem:s21], [sflag:$0x2] =	stream.indirect.gather [hbm4b:s4+s18], $0x80, s20, s18, $0xb8;
	[tilespmem:$0x1E400] =	vst v63  }
0x20: {  	_ =	swait.ge [sflag:s22], $0x2780  }
0x21: {  	[sflag:s22] =	ssyncset.done $0x0  }
0x22: {  	[sflag:s22] =	ssyncadd.s32 $0xFFFFD880  }
0x23: {  	[bflag:$0x0] =	sbarrier.arrive $0xFFFF  }
0x24: {  	_ =	swait.ge [sflag:s23], $0x4000  }
0x25: {  	[sflag:s23] =	ssyncset.done $0x0  }
0x26: {  	s29 =	simm.s32 $0x15000;
	[sflag:s23] =	ssyncadd.s32 $0xFFFFC000  }
0x27: {  	[spmem:s2] =	stream.indirect.scatter.add.f32 [tilespmem:s19], [sflag:$0x4], $0x80, s29, s18, $0xb8;
	[tilespmem:$0x1E400] =	vst v63  }
0x28: {  	_ =	swait.ge [sflag:s16], $0x4000  }
0x29: {  	[sflag:s16] =	ssyncset.done $0x0  }
0x2a: {  	s29 =	simm.s32 $0x13D00;
	[sflag:s16] =	ssyncadd.s32 $0xFFFFC000  }
0x2b: {  	[tilespmem:s19], [sflag:$0x1] =	stream.indirect.gather [hbm4b:s4+s18], $0x80, s29, s18, $0xb8;
	[tilespmem:$0x1E400] =	vst v63  }
0x2c: {  	_ =	swait.ge [sflag:s24], $0x4000  }
0x2d: {  	[sflag:s24] =	ssyncset.done $0x0  }
0x2e: {  	s29 =	simm.s32 $0x15080;
	[sflag:s24] =	ssyncadd.s32 $0xFFFFC000  }
0x2f: {  	[spmem:s2] =	stream.indirect.scatter.add.f32 [tilespmem:s21], [sflag:$0x4], $0x80, s29, s18, $0xb8;
	[tilespmem:$0x1E400] =	vst v63  }
0x30: {  	_ =	swait.ge [sflag:s16], $0x4000  }
0x31: {  	[sflag:s16] =	ssyncset.done $0x0  }
0x32: {  	s30 =	simm.s32 $0x13D80;
	s29 =	simm.s32 $0x400;
	[sflag:s16] =	ssyncadd.s32 $0xFFFFC000  }
.LBB2_2:
0x33: {  	[tilespmem:s21], [sflag:$0x2] =	stream.indirect.gather [hbm4b:s4+s18], $0x80, s30, s18, $0xb8;
	[tilespmem:$0x1E400] =	vst v63  }
0x34: {  	s30 =	smov.u32 s29  }
0x35: {  	p0 =	sne.s32 s29, $0x4800;
	s29 =	sadd.s32 $0x400, s29;
	_ =	swait.ge [sflag:s23], $0x4000  }
0x36: {  	s30 =	sshra.s32 s30, $0x2;
	[sflag:s23] =	ssyncset.done $0x0  }
0x37: {  	s31 =	sadd.s32 $0x15000, s30;
	[sflag:s23] =	ssyncadd.s32 $0xFFFFC000  }
0x38: {  	[spmem:s2] =	stream.indirect.scatter.add.f32 [tilespmem:s19], [sflag:$0x4], $0x80, s31, s18, $0xb8;
	[tilespmem:$0x1E400] =	vst v63  }
0x39: {  	_ =	swait.ge [sflag:s16], $0x4000  }
0x3a: {  	[sflag:s16] =	ssyncset.done $0x0  }
0x3b: {  	s31 =	sadd.s32 $0x13D00, s30;
	[sflag:s16] =	ssyncadd.s32 $0xFFFFC000  }
0x3c: {  	[tilespmem:s19], [sflag:$0x1] =	stream.indirect.gather [hbm4b:s4+s18], $0x80, s31, s18, $0xb8;
	[tilespmem:$0x1E400] =	vst v63  }
0x3d: {  	_ =	swait.ge [sflag:s24], $0x4000  }
0x3e: {  	[sflag:s24] =	ssyncset.done $0x0  }
.Ltmp0:
0x3f: {  	s31 =	sadd.s32 $0x15080, s30;
	[sflag:s24] =	ssyncadd.s32 $0xFFFFC000;
	(pc) =	sbr.rel @p0 .LBB2_2-.Ltmp0, $4  }
0x40: {  	[spmem:s2] =	stream.indirect.scatter.add.f32 [tilespmem:s21], [sflag:$0x4], $0x80, s31, s18, $0xb8;
	[tilespmem:$0x1E400] =	vst v63  }
0x41: {  	_ =	swait.ge [sflag:s16], $0x4000  }
0x42: {  	[sflag:s16] =	ssyncset.done $0x0  }
0x43: {  	s30 =	sadd.s32 $0x13D80, s30;
	[sflag:s16] =	ssyncadd.s32 $0xFFFFC000  }
0x44: {  	[tilespmem:s21], [sflag:$0x2] =	stream.indirect.gather [hbm4b:s4+s18], $0x80, s30, s18, $0xb8;
	[tilespmem:$0x1E400] =	vst v63  }
0x45: {  	_ =	swait.ge [sflag:s23], $0x4000  }
0x46: {  	[sflag:s23] =	ssyncset.done $0x0  }
0x47: {  	[sflag:s23] =	ssyncadd.s32 $0xFFFFC000  }
0x48: {  	[spmem:s2] =	stream.indirect.scatter.add.f32 [tilespmem:s19], [sflag:$0x4], $0x80, s25, s18, $0xb8;
	[tilespmem:$0x1E400] =	vst v63  }
0x49: {  	_ =	swait.ge [sflag:s16], $0x4000  }
0x4a: {  	[sflag:s16] =	ssyncset.done $0x0  }
0x4b: {  	[sflag:s16] =	ssyncadd.s32 $0xFFFFC000  }
0x4c: {  	_ =	swait.ge [sflag:s24], $0x4000  }
0x4d: {  	[sflag:s24] =	ssyncset.done $0x0  }
0x4e: {  	[sflag:s24] =	ssyncadd.s32 $0xFFFFC000  }
0x4f: {  	[spmem:s2] =	stream.indirect.scatter.add.f32 [tilespmem:s21], [sflag:$0x4], $0x80, s26, s18, $0xb8;
	[tilespmem:$0x1E400] =	vst v63  }
0x50: {  	_ =	swait.ge [sflag:s16], $0x4000  }
0x51: {  	[sflag:s16] =	ssyncset.done $0x0  }
0x52: {  	s29 =	simm.s32 $0x0;
	[sflag:s16] =	ssyncadd.s32 $0xFFFFC000  }
0x53: {  	[tilespmem:s15], [sflag:$0x4] =	stream.linear.gather [hbm4b:s10+s29], $0x1400, $0x38;
	[tilespmem:$0x1E400] =	vst v63  }
0x54: {  	_ =	swait.ge [sflag:s16], $0x1400  }
0x55: {  	[sflag:s16] =	ssyncset.done $0x0  }
0x56: {  	[sflag:s16] =	ssyncadd.s32 $0xFFFFEC00  }
0x57: {  	[tilespmem:s17], [sflag:$0x4] =	stream.linear.gather [hbm4b:s11+s29], $0x1400, $0x38;
	[tilespmem:$0x1E400] =	vst v63  }
0x58: {  	_ =	swait.ge [sflag:s16], $0x1400  }
0x59: {  	[sflag:s16] =	ssyncset.done $0x0  }
0x5a: {  	[sflag:s16] =	ssyncadd.s32 $0xFFFFEC00  }
0x5b: {  	[tilespmem:s19], [sflag:$0x1] =	stream.indirect.gather [hbm4b:s4+s18], $0x80, s15, s18, $0xb8;
	[tilespmem:$0x1E400] =	vst v63  }
0x5c: {  	_ = 	snop  }
0x5d: {  	[tilespmem:s21], [sflag:$0x2] =	stream.indirect.gather [hbm4b:s4+s18], $0x80, s20, s18, $0xb8;
	[tilespmem:$0x1E400] =	vst v63  }
0x5e: {  	_ =	swait.ge [sflag:s23], $0x4000  }
0x5f: {  	[sflag:s23] =	ssyncset.done $0x0  }
0x60: {  	s29 =	simm.s32 $0x15000;
	[sflag:s23] =	ssyncadd.s32 $0xFFFFC000  }
0x61: {  	[spmem:s2] =	stream.indirect.scatter.add.f32 [tilespmem:s19], [sflag:$0x4], $0x80, s29, s18, $0xb8;
	[tilespmem:$0x1E400] =	vst v63  }
0x62: {  	_ =	swait.ge [sflag:s16], $0x4000  }
0x63: {  	[sflag:s16] =	ssyncset.done $0x0  }
0x64: {  	s29 =	simm.s32 $0x13D00;
	[sflag:s16] =	ssyncadd.s32 $0xFFFFC000  }
0x65: {  	[tilespmem:s19], [sflag:$0x1] =	stream.indirect.gather [hbm4b:s4+s18], $0x80, s29, s18, $0xb8;
	[tilespmem:$0x1E400] =	vst v63  }
0x66: {  	_ =	swait.ge [sflag:s24], $0x4000  }
0x67: {  	[sflag:s24] =	ssyncset.done $0x0  }
0x68: {  	s29 =	simm.s32 $0x15080;
	[sflag:s24] =	ssyncadd.s32 $0xFFFFC000  }
0x69: {  	[spmem:s2] =	stream.indirect.scatter.add.f32 [tilespmem:s21], [sflag:$0x4], $0x80, s29, s18, $0xb8;
	[tilespmem:$0x1E400] =	vst v63  }
0x6a: {  	_ =	swait.ge [sflag:s16], $0x4000  }
0x6b: {  	[sflag:s16] =	ssyncset.done $0x0  }
0x6c: {  	s30 =	simm.s32 $0x13D80;
	s29 =	simm.s32 $0x400;
	[sflag:s16] =	ssyncadd.s32 $0xFFFFC000  }
.LBB2_4:
0x6d: {  	[tilespmem:s21], [sflag:$0x2] =	stream.indirect.gather [hbm4b:s4+s18], $0x80, s30, s18, $0xb8;
	[tilespmem:$0x1E400] =	vst v63  }
0x6e: {  	s30 =	smov.u32 s29  }
0x6f: {  	p0 =	sne.s32 s29, $0x4800;
	s29 =	sadd.s32 $0x400, s29;
	_ =	swait.ge [sflag:s23], $0x4000  }
0x70: {  	s30 =	sshra.s32 s30, $0x2;
	[sflag:s23] =	ssyncset.done $0x0  }
0x71: {  	s31 =	sadd.s32 $0x15000, s30;
	[sflag:s23] =	ssyncadd.s32 $0xFFFFC000  }
0x72: {  	[spmem:s2] =	stream.indirect.scatter.add.f32 [tilespmem:s19], [sflag:$0x4], $0x80, s31, s18, $0xb8;
	[tilespmem:$0x1E400] =	vst v63  }
0x73: {  	_ =	swait.ge [sflag:s16], $0x4000  }
0x74: {  	[sflag:s16] =	ssyncset.done $0x0  }
0x75: {  	s31 =	sadd.s32 $0x13D00, s30;
	[sflag:s16] =	ssyncadd.s32 $0xFFFFC000  }
0x76: {  	[tilespmem:s19], [sflag:$0x1] =	stream.indirect.gather [hbm4b:s4+s18], $0x80, s31, s18, $0xb8;
	[tilespmem:$0x1E400] =	vst v63  }
0x77: {  	_ =	swait.ge [sflag:s24], $0x4000  }
0x78: {  	[sflag:s24] =	ssyncset.done $0x0  }
.Ltmp1:
0x79: {  	s31 =	sadd.s32 $0x15080, s30;
	[sflag:s24] =	ssyncadd.s32 $0xFFFFC000;
	(pc) =	sbr.rel @p0 .LBB2_4-.Ltmp1, $4  }
0x7a: {  	[spmem:s2] =	stream.indirect.scatter.add.f32 [tilespmem:s21], [sflag:$0x4], $0x80, s31, s18, $0xb8;
	[tilespmem:$0x1E400] =	vst v63  }
0x7b: {  	_ =	swait.ge [sflag:s16], $0x4000  }
0x7c: {  	[sflag:s16] =	ssyncset.done $0x0  }
0x7d: {  	s30 =	sadd.s32 $0x13D80, s30;
	[sflag:s16] =	ssyncadd.s32 $0xFFFFC000  }
0x7e: {  	[tilespmem:s21], [sflag:$0x2] =	stream.indirect.gather [hbm4b:s4+s18], $0x80, s30, s18, $0xb8;
	[tilespmem:$0x1E400] =	vst v63  }
0x7f: {  	_ =	swait.ge [sflag:s23], $0x4000  }
0x80: {  	[sflag:s23] =	ssyncset.done $0x0  }
0x81: {  	[sflag:s23] =	ssyncadd.s32 $0xFFFFC000  }
0x82: {  	[spmem:s2] =	stream.indirect.scatter.add.f32 [tilespmem:s19], [sflag:$0x4], $0x80, s25, s18, $0xb8;
	[tilespmem:$0x1E400] =	vst v63  }
0x83: {  	_ =	swait.ge [sflag:s16], $0x4000  }
0x84: {  	[sflag:s16] =	ssyncset.done $0x0  }
0x85: {  	[sflag:s16] =	ssyncadd.s32 $0xFFFFC000  }
0x86: {  	_ =	swait.ge [sflag:s24], $0x4000  }
0x87: {  	[sflag:s24] =	ssyncset.done $0x0  }
0x88: {  	[sflag:s24] =	ssyncadd.s32 $0xFFFFC000  }
0x89: {  	[spmem:s2] =	stream.indirect.scatter.add.f32 [tilespmem:s21], [sflag:$0x4], $0x80, s26, s18, $0xb8;
	[tilespmem:$0x1E400] =	vst v63  }
0x8a: {  	_ =	swait.ge [sflag:s16], $0x4000  }
0x8b: {  	s28 =	sadd.s32 $0x1, s28;
	[sflag:s16] =	ssyncset.done $0x0  }
0x8c: {  	p0 =	sne.s32 s28, s13;
	[sflag:s16] =	ssyncadd.s32 $0xFFFFC000  }
.Ltmp2:
0x8d: {  	s29 =	sor.u32 $0x1C04, s6;
	[bflag:$0x0] =	sbarrier.arrive $0xFFFF;
	(pc) =	sbr.rel @p0 .LBB2_1-.Ltmp2, $4  }
0x8e: {  	[hbm:s12], [sflag:s29] =	dma.local [spmem:s14], $0x2780  }
0x8f: {  	_ =	swait.ge [sflag:s16], $0x2780  }
0x90: {  	[sflag:s16] =	ssyncset.done $0x0  }
0x91: {  	[sflag:s16] =	ssyncadd.s32 $0xFFFFD880  }
0x92: {  	_ =	sfence.sel $0x180000  }
0x93: {  	[bflag:$0x0] =	sbarrier.arrive $0xFFFF  }
0x94: {  	p0 =	sne.s32 s0, $0x0;
	_ =	strace $0x90000047  }
0x95: {  	s0 =	sadd.s32 @!p0 $0x100000, s1;
	[bflag:$0x2] =	sbarrier.arrive $0xFFFF  }
0x96: {  	[sflag:s0] =	ssyncadd.tile.s32 @!p0 $0x1;
	_ =	shalt  }
.Lfunc_end2:
_tile_overlayer_lowered:
.L_overlay_start_2:
0x97: {  	(tag) =	ssettag $0x2  }
0x98: {  	s0 =	rddreg [dreg:$0x0];
	s2 =	stileid.u32  }
0x99: {  	s1 =	rddreg [dreg:$0x1];
	p0 =	sne.s32 s2, $0x0  }
0x9a: {  	s3 =	rddreg [dreg:$0x2];
	[bflag:$0x3] =	sbarrier.arrive $0xFFFF;
	s2 =	simm.s32 @!p0 $0x1C04  }
0x9b: {  	[timem:s3], [sflag:s2] =	dma.local @!p0 [hbm:s0], s1  }
0x9c: {  	s0 =	simm.s32 @!p0 $0x4  }
0x9d: {  	_ =	swait.ge @!p0 [sflag:s0], s1  }
0x9e: {  	s1 =	ssub.s32 @!p0 $0x0, s1;
	[sflag:s0] =	ssyncset.done @!p0 $0x0  }
0x9f: {  	[sflag:s0] =	ssyncadd.s32 @!p0 s1  }
0xa0: {  	[bflag:$0x3] =	sbarrier.arrive $0xFFFF  }
0xa1: {  	_ =	shalt  }

</sc_bundles>
